<compile_context>
chip_gen: v7x
topology: tpu7x:2x2x1
jax: 0.10.2.dev20260603
libtpu: 0.0.44.dev20260713+nightly
codegen_flags: <defaults>
</compile_context>

<pallas_src>
import functools

import jax
import jax.numpy as jnp
from jax import lax
from jax.experimental import pallas as pl
from jax.experimental.pallas import tpu as pltpu
from jax.experimental.pallas import tpu_sc as plsc

N_NODES = 50000
N_EDGES = 800000
IN_DIM = 78
HIDDEN = 128
N_GRAPHS = 1024

NC = 2
NS = 16
CHUNK = 64
STAGE = 2
BLK = 2048
NPAD = 50048
ROWS_PER_SUB = NPAD // NS
HALF = 40
E_SUB = 50176
NST = E_SUB // (STAGE * CHUNK)
N_ITERS = NST // 2
E_PAD = E_SUB * NS


def _sc_agg_body(xpad_hbm, idx_hbm, out_hbm, idx_a, idx_b, rows0, rows1,
                 agg_sh, sem_r0, sem_r1, sem_s0, sem_s1, sem_ia, sem_ib):
    c = lax.axis_index("c")
    s = lax.axis_index("s")
    base = s * ROWS_PER_SUB
    pltpu.sync_copy(xpad_hbm.at[c, pl.ds(base, ROWS_PER_SUB), :],
                    agg_sh.at[pl.ds(base, ROWS_PER_SUB), :])
    plsc.subcore_barrier()

    table = xpad_hbm.at[c]
    rows = (rows0, rows1)
    sem_r = (sem_r0, sem_r1)
    sem_s = (sem_s0, sem_s1)

    def wait_rows(b):
        pltpu.make_async_copy(table.at[idx_a.at[0, 0]], rows[b],
                              sem_r[b]).wait()

    def wait_scat(b):
        pltpu.make_async_copy(rows[b], agg_sh.at[idx_a.at[1, 0]],
                              sem_s[b]).wait()

    def wait_idx(iv, sem):
        pltpu.make_async_copy(idx_hbm.at[s, 0], iv, sem).wait()

    pltpu.sync_copy(idx_hbm.at[s, 0], idx_a)
    pltpu.async_copy(idx_hbm.at[s, 1], idx_b, sem_ib)
    pltpu.async_copy(table.at[idx_a.at[0, 0]], rows0, sem_r0)

    def body(i, carry):
        st_a = jnp.minimum(2 * i + 2, NST - 1)
        st_b = jnp.minimum(2 * i + 3, NST - 1)
        @pl.when(i > 0)
        def _():
            wait_scat(1)
        pltpu.async_copy(table.at[idx_a.at[0, 1]], rows1, sem_r1)
        wait_rows(0)
        pltpu.async_copy(rows0, agg_sh.at[idx_a.at[1, 0]], sem_s0, add=True)
        wait_idx(idx_b, sem_ib)
        wait_scat(0)
        pltpu.async_copy(table.at[idx_b.at[0, 0]], rows0, sem_r0)
        wait_rows(1)
        pltpu.async_copy(rows1, agg_sh.at[idx_a.at[1, 1]], sem_s1, add=True)
        pltpu.async_copy(idx_hbm.at[s, st_a], idx_a, sem_ia)
        wait_scat(1)
        pltpu.async_copy(table.at[idx_b.at[0, 1]], rows1, sem_r1)
        wait_rows(0)
        pltpu.async_copy(rows0, agg_sh.at[idx_b.at[1, 0]], sem_s0, add=True)
        wait_idx(idx_a, sem_ia)
        wait_scat(0)
        pltpu.async_copy(table.at[idx_a.at[0, 0]], rows0, sem_r0)
        wait_rows(1)
        pltpu.async_copy(rows1, agg_sh.at[idx_b.at[1, 1]], sem_s1, add=True)
        pltpu.async_copy(idx_hbm.at[s, st_b], idx_b, sem_ib)
        return carry

    lax.fori_loop(0, N_ITERS, body, 0)
    wait_rows(0)
    wait_scat(1)
    wait_idx(idx_b, sem_ib)
    plsc.subcore_barrier()
    pltpu.sync_copy(agg_sh.at[pl.ds(base, ROWS_PER_SUB), :],
                    out_hbm.at[c, pl.ds(base, ROWS_PER_SUB), :])


@functools.cache
def _sc_agg():
    return pl.kernel(
        _sc_agg_body,
        out_type=jax.ShapeDtypeStruct((NC, NPAD, HALF), jnp.float32),
        mesh=plsc.VectorSubcoreMesh(core_axis_name="c", subcore_axis_name="s",
                                    num_cores=NC, num_subcores=NS),
        scratch_types=[
            pltpu.VMEM((2, STAGE, CHUNK), jnp.int32),
            pltpu.VMEM((2, STAGE, CHUNK), jnp.int32),
            pltpu.VMEM((CHUNK, HALF), jnp.float32),
            pltpu.VMEM((CHUNK, HALF), jnp.float32),
            pltpu.VMEM_SHARED((NPAD, HALF), jnp.float32),
            pltpu.SemaphoreType.DMA,
            pltpu.SemaphoreType.DMA,
            pltpu.SemaphoreType.DMA,
            pltpu.SemaphoreType.DMA,
            pltpu.SemaphoreType.DMA,
            pltpu.SemaphoreType.DMA,
        ],
        compiler_params=pltpu.CompilerParams(use_tc_tiling_on_sc=False),
    )


def _tc_mlp_pool_body(lo_ref, hi_ref, bcol_ref, w1a_ref, w1b_ref, b1_ref,
                      w2_ref, b2_ref, out_ref, cnt_ref):
    i = pl.program_id(0)
    nsteps = pl.num_programs(0)

    @pl.when(i == 0)
    def _init():
        out_ref[...] = jnp.zeros_like(out_ref)
        cnt_ref[...] = jnp.zeros_like(cnt_ref)

    lo = lo_ref[0].astype(jnp.bfloat16)
    hi = hi_ref[0].astype(jnp.bfloat16)
    h1 = jnp.dot(lo, w1a_ref[...], preferred_element_type=jnp.float32)
    h1 += jnp.dot(hi, w1b_ref[...], preferred_element_type=jnp.float32)
    h1 = jnp.maximum(h1 + b1_ref[...], 0.0).astype(jnp.bfloat16)
    h2 = jnp.dot(h1, w2_ref[...], preferred_element_type=jnp.float32)
    h2 += b2_ref[...]

    row = i * BLK + lax.broadcasted_iota(jnp.int32, (BLK, 1), 0)
    h2 = jnp.where(row < N_NODES, h2, 0.0).astype(jnp.bfloat16)

    b = bcol_ref[...]
    gids = lax.broadcasted_iota(jnp.int32, (BLK, N_GRAPHS), 1)
    onehot = jnp.where((b == gids) & (row < N_NODES), 1.0, 0.0).astype(
        jnp.bfloat16)
    out_ref[...] += lax.dot_general(onehot, h2, (((0,), (0,)), ((), ())),
                                    preferred_element_type=jnp.float32)
    cnt_ref[...] += lax.dot_general(onehot, jnp.ones((BLK, 8), jnp.bfloat16),
                                    (((0,), (0,)), ((), ())),
                                    preferred_element_type=jnp.float32)

    @pl.when(i == nsteps - 1)
    def _final():
        counts = jnp.maximum(cnt_ref[:, 0:1], 1.0)
        out_ref[...] = out_ref[...] / counts


def _tc_mlp_pool(agg3d, bcol, w1a, w1b, b1, w2, b2):
    grid = (NPAD + BLK - 1) // BLK
    return pl.pallas_call(
        _tc_mlp_pool_body,
        grid=(grid,),
        in_specs=[
            pl.BlockSpec((1, BLK, HALF), lambda i: (0, i, 0)),
            pl.BlockSpec((1, BLK, HALF), lambda i: (1, i, 0)),
            pl.BlockSpec((BLK, 1), lambda i: (i, 0)),
            pl.BlockSpec((HALF, HIDDEN), lambda i: (0, 0)),
            pl.BlockSpec((HALF, HIDDEN), lambda i: (0, 0)),
            pl.BlockSpec((1, HIDDEN), lambda i: (0, 0)),
            pl.BlockSpec((HIDDEN, HIDDEN), lambda i: (0, 0)),
            pl.BlockSpec((1, HIDDEN), lambda i: (0, 0)),
        ],
        out_specs=pl.BlockSpec((N_GRAPHS, HIDDEN), lambda i: (0, 0)),
        out_shape=jax.ShapeDtypeStruct((N_GRAPHS, HIDDEN), jnp.float32),
        scratch_shapes=[pltpu.VMEM((N_GRAPHS, 8), jnp.float32)],
    )(agg3d, agg3d, bcol, w1a, w1b, b1, w2, b2)


def kernel(x, edge_index, batch, W1, b1, W2, b2):
    src = edge_index[0].astype(jnp.int32)
    dst = edge_index[1].astype(jnp.int32)

    xa = jnp.zeros((NPAD, HALF), jnp.float32).at[:N_NODES, :].set(x[:, :HALF])
    xb = jnp.zeros((NPAD, HALF), jnp.float32).at[:N_NODES, :IN_DIM - HALF].set(
        x[:, HALF:])
    xpad = jnp.stack([xa, xb])

    pad = jnp.full((E_PAD - N_EDGES,), N_NODES, jnp.int32)
    src_p = jnp.concatenate([src, pad]).reshape(NS, NST, 1, STAGE, CHUNK)
    dst_p = jnp.concatenate([dst, pad]).reshape(NS, NST, 1, STAGE, CHUNK)
    idx_all = jnp.concatenate([src_p, dst_p], axis=2)

    agg3d = _sc_agg()(xpad, idx_all)

    bcol = jnp.full((NPAD, 1), N_GRAPHS, jnp.int32).at[:N_NODES, 0].set(
        batch.astype(jnp.int32))

    w1a = W1[:HALF, :].astype(jnp.bfloat16)
    w1b = jnp.zeros((HALF, HIDDEN), jnp.float32).at[:IN_DIM - HALF, :].set(
        W1[HALF:, :]).astype(jnp.bfloat16)
    return _tc_mlp_pool(agg3d, bcol, w1a, w1b, b1.reshape(1, HIDDEN),
                        W2.astype(jnp.bfloat16), b2.reshape(1, HIDDEN))

# --- scband reference (transcript-rebuilt; emitter-appended) ---
"""Pipeline reference for scband-simple-drug-encoder-1812476199508 (READ-ONLY COPY).

The authoritative reference and input builder live on the scoring server;
editing this copy changes nothing except your own understanding.
"""

import jax, jax.numpy as jnp
import numpy as np

N_NODES = 50000
N_EDGES = 800000
IN_DIM = 78
HIDDEN = 128
N_GRAPHS = 1024


def setup_inputs(seed: int = 0) -> dict:
    key = jax.random.key(seed)
    k_x, k_ei, k_b, k_w1, k_b1, k_w2, k_b2 = jax.random.split(key, 7)
    x = jax.random.normal(k_x, (N_NODES, IN_DIM), dtype=jnp.float32)
    edge_index = jax.random.randint(k_ei, (2, N_EDGES), 0, N_NODES, dtype=jnp.int64)
    batch = jnp.sort(jax.random.randint(k_b, (N_NODES,), 0, N_GRAPHS, dtype=jnp.int64))
    # GIN MLP params: Linear(78->128), ReLU, Linear(128->128)
    lim1 = 1.0 / np.sqrt(IN_DIM)
    W1 = jax.random.uniform(k_w1, (IN_DIM, HIDDEN), minval=-lim1, maxval=lim1, dtype=jnp.float32)
    b1 = jax.random.uniform(k_b1, (HIDDEN,), minval=-lim1, maxval=lim1, dtype=jnp.float32)
    lim2 = 1.0 / np.sqrt(HIDDEN)
    W2 = jax.random.uniform(k_w2, (HIDDEN, HIDDEN), minval=-lim2, maxval=lim2, dtype=jnp.float32)
    b2 = jax.random.uniform(k_b2, (HIDDEN,), minval=-lim2, maxval=lim2, dtype=jnp.float32)
    return {"x": x, "edge_index": edge_index, "batch": batch,
            "W1": W1, "b1": b1, "W2": W2, "b2": b2}


def reference(x, edge_index, batch, W1, b1, W2, b2):
    # GINConv (eps=0, train_eps=False, sum aggregation):
    # out_i = MLP( (1+eps)*x_i + sum_{j in N(i)} x_j )
    src = edge_index[0]
    dst = edge_index[1]
    msgs = jnp.take(x, src, axis=0)                      # gather [E, 78]
    agg = jax.ops.segment_sum(msgs, dst, num_segments=N_NODES)  # scatter-add [N, 78]
    h = x + agg                                          # (1 + 0) * x + agg
    h = jnp.dot(h, W1) + b1
    h = jax.nn.relu(h)
    h = jnp.dot(h, W2) + b2                              # [N, 128]
    # global_mean_pool over molecule assignment
    sums = jax.ops.segment_sum(h, batch, num_segments=N_GRAPHS)  # [G, 128]
    counts = jax.ops.segment_sum(jnp.ones((N_NODES,), dtype=jnp.float32), batch, num_segments=N_GRAPHS)
    counts = jnp.maximum(counts, 1.0)
    return sums / counts[:, None]

if __name__ == "__main__":
    import jax
    _d = setup_inputs()
    print(jax.jit(kernel)(*tuple(_d.values())))

</pallas_src>

<mosaic_0001>
#map = affine_map<(d0, d1) -> (0, 0, 0)>
#map1 = affine_map<(d0, d1) -> (0, 0, 0, 0, 0)>
module attributes {stable_mosaic.version = 14 : i64} {
  func.func @_sc_agg_body(%arg0: i32, %arg1: i32, %arg2: memref<2x50048x40xf32, #tpu.memory_space<hbm>>, %arg3: memref<16x392x2x2x64xi32, #tpu.memory_space<hbm>>, %arg4: memref<2x50048x40xf32, #tpu.memory_space<hbm>>, %arg5: memref<2x2x64xi32, #tpu.memory_space<vmem>>, %arg6: memref<2x2x64xi32, #tpu.memory_space<vmem>>, %arg7: memref<64x40xf32, #tpu.memory_space<vmem>>, %arg8: memref<64x40xf32, #tpu.memory_space<vmem>>, %arg9: memref<50048x40xf32, #tpu.memory_space<vmem_shared>>, %arg10: memref<!tpu.dma_semaphore, #tpu.memory_space<semaphore_mem>>, %arg11: memref<!tpu.dma_semaphore, #tpu.memory_space<semaphore_mem>>, %arg12: memref<!tpu.dma_semaphore, #tpu.memory_space<semaphore_mem>>, %arg13: memref<!tpu.dma_semaphore, #tpu.memory_space<semaphore_mem>>, %arg14: memref<!tpu.dma_semaphore, #tpu.memory_space<semaphore_mem>>, %arg15: memref<!tpu.dma_semaphore, #tpu.memory_space<semaphore_mem>>) attributes {dimension_semantics = [#tpu.dimension_semantics<core_parallel>, #tpu.dimension_semantics<subcore_parallel>], iteration_bounds = array<i64: 2, 16>, scalar_prefetch = 0 : i64, scratch_operands = 11 : i64, tpu.core_type = #tpu.core_type<sc_vector_subcore>, window_params = [{transform_indices = #map}, {transform_indices = #map1}, {transform_indices = #map}]} {
    %mul3A = arith.constant 3128 : i32
    %mul3A_0 = arith.muli %arg1, %mul3A : i32
    "tpu.region"() ({
      %run_scoped3A_59 = tpu.sem_alloc : memref<!tpu.dma_semaphore, #tpu.memory_space<semaphore_mem>>
      %dma_start3A_60 = arith.constant 0 : i32
      %dma_start3A_61 = tpu.memref_slice %arg9[%mul3A_0, %dma_start3A_60] : memref<50048x40xf32, #tpu.memory_space<vmem_shared>> -> memref<3128x40xf32, #tpu.memory_space<vmem_shared>>
      %dma_start3A_62 = arith.constant 0 : i32
      %dma_start3A_63 = tpu.memref_slice %arg2[%arg0, %mul3A_0, %dma_start3A_62] : memref<2x50048x40xf32, #tpu.memory_space<hbm>> -> memref<1x3128x40xf32, #tpu.memory_space<hbm>>
      %dma_start3A_64 = tpu.memref_squeeze %dma_start3A_63 : memref<1x3128x40xf32, #tpu.memory_space<hbm>> -> memref<3128x40xf32, #tpu.memory_space<hbm>>
      tpu.enqueue_dma source(%dma_start3A_64 : memref<3128x40xf32, #tpu.memory_space<hbm>>) target(%dma_start3A_61 : memref<3128x40xf32, #tpu.memory_space<vmem_shared>>) target_semaphore(%run_scoped3A_59 : memref<!tpu.dma_semaphore, #tpu.memory_space<semaphore_mem>>)
      %dma_wait3A_65 = arith.constant 0 : i32
      %dma_wait3A_66 = tpu.memref_slice %arg9[%mul3A_0, %dma_wait3A_65] : memref<50048x40xf32, #tpu.memory_space<vmem_shared>> -> memref<3128x40xf32, #tpu.memory_space<vmem_shared>>
      %dma_wait3A_67 = arith.constant 0 : i32
      %dma_wait3A_68 = tpu.memref_slice %arg2[%arg0, %mul3A_0, %dma_wait3A_67] : memref<2x50048x40xf32, #tpu.memory_space<hbm>> -> memref<1x3128x40xf32, #tpu.memory_space<hbm>>
      %dma_wait3A_69 = tpu.memref_squeeze %dma_wait3A_68 : memref<1x3128x40xf32, #tpu.memory_space<hbm>> -> memref<3128x40xf32, #tpu.memory_space<hbm>>
      tpu.wait_dma2 semaphore(%run_scoped3A_59 : memref<!tpu.dma_semaphore, #tpu.memory_space<semaphore_mem>>) src(%dma_wait3A_69 : memref<3128x40xf32, #tpu.memory_space<hbm>>) dst(%dma_wait3A_66 : memref<3128x40xf32, #tpu.memory_space<vmem_shared>>)
      tpu.yield
    }) : () -> ()
    %barrier3A = arith.constant 0 : index
    tpu.barrier barrier_id(%barrier3A)
    %run_scoped3A = arith.constant 0 : i32
    "tpu.region"() ({
      %run_scoped3A_59 = tpu.sem_alloc : memref<!tpu.dma_semaphore, #tpu.memory_space<semaphore_mem>>
      %dma_start3A_60 = arith.constant 0 : i32
      %dma_start3A_61 = arith.constant 0 : i32
      %dma_start3A_62 = arith.constant 0 : i32
      %dma_start3A_63 = tpu.memref_slice %arg3[%arg1, %run_scoped3A, %dma_start3A_60, %dma_start3A_61, %dma_start3A_62] : memref<16x392x2x2x64xi32, #tpu.memory_space<hbm>> -> memref<1x1x2x2x64xi32, #tpu.memory_space<hbm>>
      %dma_start3A_64 = tpu.memref_squeeze %dma_start3A_63 : memref<1x1x2x2x64xi32, #tpu.memory_space<hbm>> -> memref<2x2x64xi32, #tpu.memory_space<hbm>>
      %dma_start3A_65 = arith.constant 0 : i32
      %dma_start3A_66 = arith.constant 0 : i32
      %dma_start3A_67 = arith.constant 0 : i32
      %dma_start3A_68 = tpu.memref_slice %arg3[%arg1, %run_scoped3A, %dma_start3A_65, %dma_start3A_66, %dma_start3A_67] : memref<16x392x2x2x64xi32, #tpu.memory_space<hbm>> -> memref<1x1x2x2x64xi32, #tpu.memory_space<hbm>>
      %dma_start3A_69 = tpu.memref_squeeze %dma_start3A_68 : memref<1x1x2x2x64xi32, #tpu.memory_space<hbm>> -> memref<2x2x64xi32, #tpu.memory_space<hbm>>
      tpu.enqueue_dma source(%dma_start3A_69 : memref<2x2x64xi32, #tpu.memory_space<hbm>>) target(%arg5 : memref<2x2x64xi32, #tpu.memory_space<vmem>>) target_semaphore(%run_scoped3A_59 : memref<!tpu.dma_semaphore, #tpu.memory_space<semaphore_mem>>)
      %dma_wait3A_70 = arith.constant 0 : i32
      %dma_wait3A_71 = arith.constant 0 : i32
      %dma_wait3A_72 = arith.constant 0 : i32
      %dma_wait3A_73 = tpu.memref_slice %arg3[%arg1, %run_scoped3A, %dma_wait3A_70, %dma_wait3A_71, %dma_wait3A_72] : memref<16x392x2x2x64xi32, #tpu.memory_space<hbm>> -> memref<1x1x2x2x64xi32, #tpu.memory_space<hbm>>
      %dma_wait3A_74 = tpu.memref_squeeze %dma_wait3A_73 : memref<1x1x2x2x64xi32, #tpu.memory_space<hbm>> -> memref<2x2x64xi32, #tpu.memory_space<hbm>>
      %dma_wait3A_75 = arith.constant 0 : i32
      %dma_wait3A_76 = arith.constant 0 : i32
      %dma_wait3A_77 = arith.constant 0 : i32
      %dma_wait3A_78 = tpu.memref_slice %arg3[%arg1, %run_scoped3A, %dma_wait3A_75, %dma_wait3A_76, %dma_wait3A_77] : memref<16x392x2x2x64xi32, #tpu.memory_space<hbm>> -> memref<1x1x2x2x64xi32, #tpu.memory_space<hbm>>
      %dma_wait3A_79 = tpu.memref_squeeze %dma_wait3A_78 : memref<1x1x2x2x64xi32, #tpu.memory_space<hbm>> -> memref<2x2x64xi32, #tpu.memory_space<hbm>>
      tpu.wait_dma2 semaphore(%run_scoped3A_59 : memref<!tpu.dma_semaphore, #tpu.memory_space<semaphore_mem>>) src(%dma_wait3A_79 : memref<2x2x64xi32, #tpu.memory_space<hbm>>) dst(%arg5 : memref<2x2x64xi32, #tpu.memory_space<vmem>>)
      tpu.yield
    }) : () -> ()
    %dma_start3A = arith.constant 1 : i32
    %dma_start3A_1 = arith.constant 0 : i32
    %dma_start3A_2 = arith.constant 0 : i32
    %dma_start3A_3 = arith.constant 0 : i32
    %dma_start3A_4 = tpu.memref_slice %arg3[%arg1, %dma_start3A, %dma_start3A_1, %dma_start3A_2, %dma_start3A_3] : memref<16x392x2x2x64xi32, #tpu.memory_space<hbm>> -> memref<1x1x2x2x64xi32, #tpu.memory_space<hbm>>
    %dma_start3A_5 = tpu.memref_squeeze %dma_start3A_4 : memref<1x1x2x2x64xi32, #tpu.memory_space<hbm>> -> memref<2x2x64xi32, #tpu.memory_space<hbm>>
    %dma_start3A_6 = arith.constant 0 : i32
    %dma_start3A_7 = arith.constant 0 : i32
    %dma_start3A_8 = arith.constant 0 : i32
    %dma_start3A_9 = tpu.memref_slice %arg3[%arg1, %dma_start3A, %dma_start3A_6, %dma_start3A_7, %dma_start3A_8] : memref<16x392x2x2x64xi32, #tpu.memory_space<hbm>> -> memref<1x1x2x2x64xi32, #tpu.memory_space<hbm>>
    %dma_start3A_10 = tpu.memref_squeeze %dma_start3A_9 : memref<1x1x2x2x64xi32, #tpu.memory_space<hbm>> -> memref<2x2x64xi32, #tpu.memory_space<hbm>>
    tpu.enqueue_dma source(%dma_start3A_10 : memref<2x2x64xi32, #tpu.memory_space<hbm>>) target(%arg6 : memref<2x2x64xi32, #tpu.memory_space<vmem>>) target_semaphore(%arg15 : memref<!tpu.dma_semaphore, #tpu.memory_space<semaphore_mem>>)
    %dma_start3A_11 = arith.constant 0 : i32
    %dma_start3A_12 = arith.constant 0 : i32
    %dma_start3A_13 = arith.constant 0 : i32
    %dma_start3A_14 = tpu.memref_slice %arg5[%dma_start3A_11, %dma_start3A_12, %dma_start3A_13] : memref<2x2x64xi32, #tpu.memory_space<vmem>> -> memref<1x1x64xi32, #tpu.memory_space<vmem>>
    %dma_start3A_15 = tpu.memref_squeeze %dma_start3A_14 : memref<1x1x64xi32, #tpu.memory_space<vmem>> -> memref<64xi32, #tpu.memory_space<vmem>>
    %dma_start3A_16 = arith.constant 0 : i32
    %dma_start3A_17 = arith.constant 0 : i32
    %dma_start3A_18 = tpu.memref_slice %arg2[%arg0, %dma_start3A_16, %dma_start3A_17] : memref<2x50048x40xf32, #tpu.memory_space<hbm>> -> memref<1x50048x40xf32, #tpu.memory_space<hbm>>
    %dma_start3A_19 = tpu.memref_squeeze %dma_start3A_18 : memref<1x50048x40xf32, #tpu.memory_space<hbm>> -> memref<50048x40xf32, #tpu.memory_space<hbm>>
    %dma_start3A_20 = arith.constant 0 : i32
    %dma_start3A_21 = arith.constant 0 : i32
    %dma_start3A_22 = tpu.memref_slice %dma_start3A_19[%dma_start3A_20, %dma_start3A_21] : memref<50048x40xf32, #tpu.memory_space<hbm>> -> memref<50048x40xf32, #tpu.memory_space<hbm>>
    tpu.enqueue_indirect_dma source(%dma_start3A_22 : memref<50048x40xf32, #tpu.memory_space<hbm>>) target(%arg7 : memref<64x40xf32, #tpu.memory_space<vmem>>) offsets(%dma_start3A_15 : memref<64xi32, #tpu.memory_space<vmem>>) semaphore(%arg10 : memref<!tpu.dma_semaphore, #tpu.memory_space<semaphore_mem>>)
    %scan3A = arith.constant 0 : i32
    %scan3A_23 = arith.constant 0 : i32
    %scan3A_24 = arith.constant 196 : i32
    %scan3A_25 = arith.addi %scan3A_23, %scan3A_24 : i32
    %scan3A_26 = arith.constant 1 : i32
    scf.for %scan3A_59 = %scan3A_23 to %scan3A_25 step %scan3A_26  : i32 {
      %mul3A_60 = arith.constant 2 : i32
      %mul3A_61 = arith.muli %mul3A_60, %scan3A_59 : i32
      %add3A = arith.constant 2 : i32
      %add3A_62 = arith.addi %mul3A_61, %add3A : i32
      %min3A = arith.constant 391 : i32
      %min3A_63 = arith.minsi %add3A_62, %min3A : i32
      %mul3A_64 = arith.constant 2 : i32
      %mul3A_65 = arith.muli %mul3A_64, %scan3A_59 : i32
      %add3A_66 = arith.constant 3 : i32
      %add3A_67 = arith.addi %mul3A_65, %add3A_66 : i32
      %min3A_68 = arith.constant 391 : i32
      %min3A_69 = arith.minsi %add3A_67, %min3A_68 : i32
      %gt3A = arith.constant 0 : i32
      %gt3A_70 = arith.cmpi sgt, %scan3A_59, %gt3A : i32
      %convert_element_type3A = arith.extui %gt3A_70 : i1 to i32
      %cond3A = arith.constant 0 : i32
      %cond3A_71 = arith.cmpi ne, %convert_element_type3A, %cond3A : i32
      scf.if %cond3A_71 {
        %dma_wait3A_266 = arith.constant 1 : i32
        %dma_wait3A_267 = arith.constant 0 : i32
        %dma_wait3A_268 = arith.constant 0 : i32
        %dma_wait3A_269 = tpu.memref_slice %arg5[%dma_wait3A_266, %dma_wait3A_267, %dma_wait3A_268] : memref<2x2x64xi32, #tpu.memory_space<vmem>> -> memref<1x1x64xi32, #tpu.memory_space<vmem>>
        %dma_wait3A_270 = tpu.memref_squeeze %dma_wait3A_269 : memref<1x1x64xi32, #tpu.memory_space<vmem>> -> memref<64xi32, #tpu.memory_space<vmem>>
        %dma_wait3A_271 = arith.constant 0 : i32
        %dma_wait3A_272 = arith.constant 0 : i32
        %dma_wait3A_273 = tpu.memref_slice %arg9[%dma_wait3A_271, %dma_wait3A_272] : memref<50048x40xf32, #tpu.memory_space<vmem_shared>> -> memref<50048x40xf32, #tpu.memory_space<vmem_shared>>
        tpu.wait_indirect_dma semaphore(%arg13 : memref<!tpu.dma_semaphore, #tpu.memory_space<semaphore_mem>>) src(%arg8 : memref<64x40xf32, #tpu.memory_space<vmem>>) dst(%dma_wait3A_273 : memref<50048x40xf32, #tpu.memory_space<vmem_shared>>)
      } else {
      }
      %dma_start3A_72 = arith.constant 0 : i32
      %dma_start3A_73 = arith.constant 1 : i32
      %dma_start3A_74 = arith.constant 0 : i32
      %dma_start3A_75 = tpu.memref_slice %arg5[%dma_start3A_72, %dma_start3A_73, %dma_start3A_74] : memref<2x2x64xi32, #tpu.memory_space<vmem>> -> memref<1x1x64xi32, #tpu.memory_space<vmem>>
      %dma_start3A_76 = tpu.memref_squeeze %dma_start3A_75 : memref<1x1x64xi32, #tpu.memory_space<vmem>> -> memref<64xi32, #tpu.memory_space<vmem>>
      %dma_start3A_77 = arith.constant 0 : i32
      %dma_start3A_78 = arith.constant 0 : i32
      %dma_start3A_79 = tpu.memref_slice %arg2[%arg0, %dma_start3A_77, %dma_start3A_78] : memref<2x50048x40xf32, #tpu.memory_space<hbm>> -> memref<1x50048x40xf32, #tpu.memory_space<hbm>>
      %dma_start3A_80 = tpu.memref_squeeze %dma_start3A_79 : memref<1x50048x40xf32, #tpu.memory_space<hbm>> -> memref<50048x40xf32, #tpu.memory_space<hbm>>
      %dma_start3A_81 = arith.constant 0 : i32
      %dma_start3A_82 = arith.constant 0 : i32
      %dma_start3A_83 = tpu.memref_slice %dma_start3A_80[%dma_start3A_81, %dma_start3A_82] : memref<50048x40xf32, #tpu.memory_space<hbm>> -> memref<50048x40xf32, #tpu.memory_space<hbm>>
      tpu.enqueue_indirect_dma source(%dma_start3A_83 : memref<50048x40xf32, #tpu.memory_space<hbm>>) target(%arg8 : memref<64x40xf32, #tpu.memory_space<vmem>>) offsets(%dma_start3A_76 : memref<64xi32, #tpu.memory_space<vmem>>) semaphore(%arg11 : memref<!tpu.dma_semaphore, #tpu.memory_space<semaphore_mem>>)
      %dma_wait3A_84 = arith.constant 0 : i32
      %dma_wait3A_85 = arith.constant 0 : i32
      %dma_wait3A_86 = arith.constant 0 : i32
      %dma_wait3A_87 = tpu.memref_slice %arg5[%dma_wait3A_84, %dma_wait3A_85, %dma_wait3A_86] : memref<2x2x64xi32, #tpu.memory_space<vmem>> -> memref<1x1x64xi32, #tpu.memory_space<vmem>>
      %dma_wait3A_88 = tpu.memref_squeeze %dma_wait3A_87 : memref<1x1x64xi32, #tpu.memory_space<vmem>> -> memref<64xi32, #tpu.memory_space<vmem>>
      %dma_wait3A_89 = arith.constant 0 : i32
      %dma_wait3A_90 = arith.constant 0 : i32
      %dma_wait3A_91 = tpu.memref_slice %arg2[%arg0, %dma_wait3A_89, %dma_wait3A_90] : memref<2x50048x40xf32, #tpu.memory_space<hbm>> -> memref<1x50048x40xf32, #tpu.memory_space<hbm>>
      %dma_wait3A_92 = tpu.memref_squeeze %dma_wait3A_91 : memref<1x50048x40xf32, #tpu.memory_space<hbm>> -> memref<50048x40xf32, #tpu.memory_space<hbm>>
      %dma_wait3A_93 = arith.constant 0 : i32
      %dma_wait3A_94 = arith.constant 0 : i32
      %dma_wait3A_95 = tpu.memref_slice %dma_wait3A_92[%dma_wait3A_93, %dma_wait3A_94] : memref<50048x40xf32, #tpu.memory_space<hbm>> -> memref<50048x40xf32, #tpu.memory_space<hbm>>
      tpu.wait_indirect_dma semaphore(%arg10 : memref<!tpu.dma_semaphore, #tpu.memory_space<semaphore_mem>>) src(%dma_wait3A_95 : memref<50048x40xf32, #tpu.memory_space<hbm>>) dst(%arg7 : memref<64x40xf32, #tpu.memory_space<vmem>>)
      %dma_start3A_96 = arith.constant 1 : i32
      %dma_start3A_97 = arith.constant 0 : i32
      %dma_start3A_98 = arith.constant 0 : i32
      %dma_start3A_99 = tpu.memref_slice %arg5[%dma_start3A_96, %dma_start3A_97, %dma_start3A_98] : memref<2x2x64xi32, #tpu.memory_space<vmem>> -> memref<1x1x64xi32, #tpu.memory_space<vmem>>
      %dma_start3A_100 = tpu.memref_squeeze %dma_start3A_99 : memref<1x1x64xi32, #tpu.memory_space<vmem>> -> memref<64xi32, #tpu.memory_space<vmem>>
      %dma_start3A_101 = arith.constant 0 : i32
      %dma_start3A_102 = arith.constant 0 : i32
      %dma_start3A_103 = tpu.memref_slice %arg9[%dma_start3A_101, %dma_start3A_102] : memref<50048x40xf32, #tpu.memory_space<vmem_shared>> -> memref<50048x40xf32, #tpu.memory_space<vmem_shared>>
      tpu.enqueue_indirect_dma source(%arg7 : memref<64x40xf32, #tpu.memory_space<vmem>>) target(%dma_start3A_103 : memref<50048x40xf32, #tpu.memory_space<vmem_shared>>) offsets(%dma_start3A_100 : memref<64xi32, #tpu.memory_space<vmem>>) semaphore(%arg12 : memref<!tpu.dma_semaphore, #tpu.memory_space<semaphore_mem>>) {add = true}
      %dma_wait3A_104 = arith.constant 0 : i32
      %dma_wait3A_105 = arith.constant 0 : i32
      %dma_wait3A_106 = arith.constant 0 : i32
      %dma_wait3A_107 = arith.constant 0 : i32
      %dma_wait3A_108 = tpu.memref_slice %arg3[%arg1, %dma_wait3A_104, %dma_wait3A_105, %dma_wait3A_106, %dma_wait3A_107] : memref<16x392x2x2x64xi32, #tpu.memory_space<hbm>> -> memref<1x1x2x2x64xi32, #tpu.memory_space<hbm>>
      %dma_wait3A_109 = tpu.memref_squeeze %dma_wait3A_108 : memref<1x1x2x2x64xi32, #tpu.memory_space<hbm>> -> memref<2x2x64xi32, #tpu.memory_space<hbm>>
      %dma_wait3A_110 = arith.constant 0 : i32
      %dma_wait3A_111 = arith.constant 0 : i32
      %dma_wait3A_112 = arith.constant 0 : i32
      %dma_wait3A_113 = tpu.memref_slice %arg3[%arg1, %dma_wait3A_104, %dma_wait3A_110, %dma_wait3A_111, %dma_wait3A_112] : memref<16x392x2x2x64xi32, #tpu.memory_space<hbm>> -> memref<1x1x2x2x64xi32, #tpu.memory_space<hbm>>
      %dma_wait3A_114 = tpu.memref_squeeze %dma_wait3A_113 : memref<1x1x2x2x64xi32, #tpu.memory_space<hbm>> -> memref<2x2x64xi32, #tpu.memory_space<hbm>>
      tpu.wait_dma2 semaphore(%arg15 : memref<!tpu.dma_semaphore, #tpu.memory_space<semaphore_mem>>) src(%dma_wait3A_114 : memref<2x2x64xi32, #tpu.memory_space<hbm>>) dst(%arg6 : memref<2x2x64xi32, #tpu.memory_space<vmem>>)
      %dma_wait3A_115 = arith.constant 1 : i32
      %dma_wait3A_116 = arith.constant 0 : i32
      %dma_wait3A_117 = arith.constant 0 : i32
      %dma_wait3A_118 = tpu.memref_slice %arg5[%dma_wait3A_115, %dma_wait3A_116, %dma_wait3A_117] : memref<2x2x64xi32, #tpu.memory_space<vmem>> -> memref<1x1x64xi32, #tpu.memory_space<vmem>>
      %dma_wait3A_119 = tpu.memref_squeeze %dma_wait3A_118 : memref<1x1x64xi32, #tpu.memory_space<vmem>> -> memref<64xi32, #tpu.memory_space<vmem>>
      %dma_wait3A_120 = arith.constant 0 : i32
      %dma_wait3A_121 = arith.constant 0 : i32
      %dma_wait3A_122 = tpu.memref_slice %arg9[%dma_wait3A_120, %dma_wait3A_121] : memref<50048x40xf32, #tpu.memory_space<vmem_shared>> -> memref<50048x40xf32, #tpu.memory_space<vmem_shared>>
      tpu.wait_indirect_dma semaphore(%arg12 : memref<!tpu.dma_semaphore, #tpu.memory_space<semaphore_mem>>) src(%arg7 : memref<64x40xf32, #tpu.memory_space<vmem>>) dst(%dma_wait3A_122 : memref<50048x40xf32, #tpu.memory_space<vmem_shared>>)
      %dma_start3A_123 = arith.constant 0 : i32
      %dma_start3A_124 = arith.constant 0 : i32
      %dma_start3A_125 = arith.constant 0 : i32
      %dma_start3A_126 = tpu.memref_slice %arg6[%dma_start3A_123, %dma_start3A_124, %dma_start3A_125] : memref<2x2x64xi32, #tpu.memory_space<vmem>> -> memref<1x1x64xi32, #tpu.memory_space<vmem>>
      %dma_start3A_127 = tpu.memref_squeeze %dma_start3A_126 : memref<1x1x64xi32, #tpu.memory_space<vmem>> -> memref<64xi32, #tpu.memory_space<vmem>>
      %dma_start3A_128 = arith.constant 0 : i32
      %dma_start3A_129 = arith.constant 0 : i32
      %dma_start3A_130 = tpu.memref_slice %arg2[%arg0, %dma_start3A_128, %dma_start3A_129] : memref<2x50048x40xf32, #tpu.memory_space<hbm>> -> memref<1x50048x40xf32, #tpu.memory_space<hbm>>
      %dma_start3A_131 = tpu.memref_squeeze %dma_start3A_130 : memref<1x50048x40xf32, #tpu.memory_space<hbm>> -> memref<50048x40xf32, #tpu.memory_space<hbm>>
      %dma_start3A_132 = arith.constant 0 : i32
      %dma_start3A_133 = arith.constant 0 : i32
      %dma_start3A_134 = tpu.memref_slice %dma_start3A_131[%dma_start3A_132, %dma_start3A_133] : memref<50048x40xf32, #tpu.memory_space<hbm>> -> memref<50048x40xf32, #tpu.memory_space<hbm>>
      tpu.enqueue_indirect_dma source(%dma_start3A_134 : memref<50048x40xf32, #tpu.memory_space<hbm>>) target(%arg7 : memref<64x40xf32, #tpu.memory_space<vmem>>) offsets(%dma_start3A_127 : memref<64xi32, #tpu.memory_space<vmem>>) semaphore(%arg10 : memref<!tpu.dma_semaphore, #tpu.memory_space<semaphore_mem>>)
      %dma_wait3A_135 = arith.constant 0 : i32
      %dma_wait3A_136 = arith.constant 0 : i32
      %dma_wait3A_137 = arith.constant 0 : i32
      %dma_wait3A_138 = tpu.memref_slice %arg5[%dma_wait3A_135, %dma_wait3A_136, %dma_wait3A_137] : memref<2x2x64xi32, #tpu.memory_space<vmem>> -> memref<1x1x64xi32, #tpu.memory_space<vmem>>
      %dma_wait3A_139 = tpu.memref_squeeze %dma_wait3A_138 : memref<1x1x64xi32, #tpu.memory_space<vmem>> -> memref<64xi32, #tpu.memory_space<vmem>>
      %dma_wait3A_140 = arith.constant 0 : i32
      %dma_wait3A_141 = arith.constant 0 : i32
      %dma_wait3A_142 = tpu.memref_slice %arg2[%arg0, %dma_wait3A_140, %dma_wait3A_141] : memref<2x50048x40xf32, #tpu.memory_space<hbm>> -> memref<1x50048x40xf32, #tpu.memory_space<hbm>>
      %dma_wait3A_143 = tpu.memref_squeeze %dma_wait3A_142 : memref<1x50048x40xf32, #tpu.memory_space<hbm>> -> memref<50048x40xf32, #tpu.memory_space<hbm>>
      %dma_wait3A_144 = arith.constant 0 : i32
      %dma_wait3A_145 = arith.constant 0 : i32
      %dma_wait3A_146 = tpu.memref_slice %dma_wait3A_143[%dma_wait3A_144, %dma_wait3A_145] : memref<50048x40xf32, #tpu.memory_space<hbm>> -> memref<50048x40xf32, #tpu.memory_space<hbm>>
      tpu.wait_indirect_dma semaphore(%arg11 : memref<!tpu.dma_semaphore, #tpu.memory_space<semaphore_mem>>) src(%dma_wait3A_146 : memref<50048x40xf32, #tpu.memory_space<hbm>>) dst(%arg8 : memref<64x40xf32, #tpu.memory_space<vmem>>)
      %dma_start3A_147 = arith.constant 1 : i32
      %dma_start3A_148 = arith.constant 1 : i32
      %dma_start3A_149 = arith.constant 0 : i32
      %dma_start3A_150 = tpu.memref_slice %arg5[%dma_start3A_147, %dma_start3A_148, %dma_start3A_149] : memref<2x2x64xi32, #tpu.memory_space<vmem>> -> memref<1x1x64xi32, #tpu.memory_space<vmem>>
      %dma_start3A_151 = tpu.memref_squeeze %dma_start3A_150 : memref<1x1x64xi32, #tpu.memory_space<vmem>> -> memref<64xi32, #tpu.memory_space<vmem>>
      %dma_start3A_152 = arith.constant 0 : i32
      %dma_start3A_153 = arith.constant 0 : i32
      %dma_start3A_154 = tpu.memref_slice %arg9[%dma_start3A_152, %dma_start3A_153] : memref<50048x40xf32, #tpu.memory_space<vmem_shared>> -> memref<50048x40xf32, #tpu.memory_space<vmem_shared>>
      tpu.enqueue_indirect_dma source(%arg8 : memref<64x40xf32, #tpu.memory_space<vmem>>) target(%dma_start3A_154 : memref<50048x40xf32, #tpu.memory_space<vmem_shared>>) offsets(%dma_start3A_151 : memref<64xi32, #tpu.memory_space<vmem>>) semaphore(%arg13 : memref<!tpu.dma_semaphore, #tpu.memory_space<semaphore_mem>>) {add = true}
      %dma_start3A_155 = arith.constant 0 : i32
      %dma_start3A_156 = arith.constant 0 : i32
      %dma_start3A_157 = arith.constant 0 : i32
      %dma_start3A_158 = tpu.memref_slice %arg3[%arg1, %min3A_63, %dma_start3A_155, %dma_start3A_156, %dma_start3A_157] : memref<16x392x2x2x64xi32, #tpu.memory_space<hbm>> -> memref<1x1x2x2x64xi32, #tpu.memory_space<hbm>>
      %dma_start3A_159 = tpu.memref_squeeze %dma_start3A_158 : memref<1x1x2x2x64xi32, #tpu.memory_space<hbm>> -> memref<2x2x64xi32, #tpu.memory_space<hbm>>
      %dma_start3A_160 = arith.constant 0 : i32
      %dma_start3A_161 = arith.constant 0 : i32
      %dma_start3A_162 = arith.constant 0 : i32
      %dma_start3A_163 = tpu.memref_slice %arg3[%arg1, %min3A_63, %dma_start3A_160, %dma_start3A_161, %dma_start3A_162] : memref<16x392x2x2x64xi32, #tpu.memory_space<hbm>> -> memref<1x1x2x2x64xi32, #tpu.memory_space<hbm>>
      %dma_start3A_164 = tpu.memref_squeeze %dma_start3A_163 : memref<1x1x2x2x64xi32, #tpu.memory_space<hbm>> -> memref<2x2x64xi32, #tpu.memory_space<hbm>>
      tpu.enqueue_dma source(%dma_start3A_164 : memref<2x2x64xi32, #tpu.memory_space<hbm>>) target(%arg5 : memref<2x2x64xi32, #tpu.memory_space<vmem>>) target_semaphore(%arg14 : memref<!tpu.dma_semaphore, #tpu.memory_space<semaphore_mem>>)
      %dma_wait3A_165 = arith.constant 1 : i32
      %dma_wait3A_166 = arith.constant 0 : i32
      %dma_wait3A_167 = arith.constant 0 : i32
      %dma_wait3A_168 = tpu.memref_slice %arg5[%dma_wait3A_165, %dma_wait3A_166, %dma_wait3A_167] : memref<2x2x64xi32, #tpu.memory_space<vmem>> -> memref<1x1x64xi32, #tpu.memory_space<vmem>>
      %dma_wait3A_169 = tpu.memref_squeeze %dma_wait3A_168 : memref<1x1x64xi32, #tpu.memory_space<vmem>> -> memref<64xi32, #tpu.memory_space<vmem>>
      %dma_wait3A_170 = arith.constant 0 : i32
      %dma_wait3A_171 = arith.constant 0 : i32
      %dma_wait3A_172 = tpu.memref_slice %arg9[%dma_wait3A_170, %dma_wait3A_171] : memref<50048x40xf32, #tpu.memory_space<vmem_shared>> -> memref<50048x40xf32, #tpu.memory_space<vmem_shared>>
      tpu.wait_indirect_dma semaphore(%arg13 : memref<!tpu.dma_semaphore, #tpu.memory_space<semaphore_mem>>) src(%arg8 : memref<64x40xf32, #tpu.memory_space<vmem>>) dst(%dma_wait3A_172 : memref<50048x40xf32, #tpu.memory_space<vmem_shared>>)
      %dma_start3A_173 = arith.constant 0 : i32
      %dma_start3A_174 = arith.constant 1 : i32
      %dma_start3A_175 = arith.constant 0 : i32
      %dma_start3A_176 = tpu.memref_slice %arg6[%dma_start3A_173, %dma_start3A_174, %dma_start3A_175] : memref<2x2x64xi32, #tpu.memory_space<vmem>> -> memref<1x1x64xi32, #tpu.memory_space<vmem>>
      %dma_start3A_177 = tpu.memref_squeeze %dma_start3A_176 : memref<1x1x64xi32, #tpu.memory_space<vmem>> -> memref<64xi32, #tpu.memory_space<vmem>>
      %dma_start3A_178 = arith.constant 0 : i32
      %dma_start3A_179 = arith.constant 0 : i32
      %dma_start3A_180 = tpu.memref_slice %arg2[%arg0, %dma_start3A_178, %dma_start3A_179] : memref<2x50048x40xf32, #tpu.memory_space<hbm>> -> memref<1x50048x40xf32, #tpu.memory_space<hbm>>
      %dma_start3A_181 = tpu.memref_squeeze %dma_start3A_180 : memref<1x50048x40xf32, #tpu.memory_space<hbm>> -> memref<50048x40xf32, #tpu.memory_space<hbm>>
      %dma_start3A_182 = arith.constant 0 : i32
      %dma_start3A_183 = arith.constant 0 : i32
      %dma_start3A_184 = tpu.memref_slice %dma_start3A_181[%dma_start3A_182, %dma_start3A_183] : memref<50048x40xf32, #tpu.memory_space<hbm>> -> memref<50048x40xf32, #tpu.memory_space<hbm>>
      tpu.enqueue_indirect_dma source(%dma_start3A_184 : memref<50048x40xf32, #tpu.memory_space<hbm>>) target(%arg8 : memref<64x40xf32, #tpu.memory_space<vmem>>) offsets(%dma_start3A_177 : memref<64xi32, #tpu.memory_space<vmem>>) semaphore(%arg11 : memref<!tpu.dma_semaphore, #tpu.memory_space<semaphore_mem>>)
      %dma_wait3A_185 = arith.constant 0 : i32
      %dma_wait3A_186 = arith.constant 0 : i32
      %dma_wait3A_187 = arith.constant 0 : i32
      %dma_wait3A_188 = tpu.memref_slice %arg5[%dma_wait3A_185, %dma_wait3A_186, %dma_wait3A_187] : memref<2x2x64xi32, #tpu.memory_space<vmem>> -> memref<1x1x64xi32, #tpu.memory_space<vmem>>
      %dma_wait3A_189 = tpu.memref_squeeze %dma_wait3A_188 : memref<1x1x64xi32, #tpu.memory_space<vmem>> -> memref<64xi32, #tpu.memory_space<vmem>>
      %dma_wait3A_190 = arith.constant 0 : i32
      %dma_wait3A_191 = arith.constant 0 : i32
      %dma_wait3A_192 = tpu.memref_slice %arg2[%arg0, %dma_wait3A_190, %dma_wait3A_191] : memref<2x50048x40xf32, #tpu.memory_space<hbm>> -> memref<1x50048x40xf32, #tpu.memory_space<hbm>>
      %dma_wait3A_193 = tpu.memref_squeeze %dma_wait3A_192 : memref<1x50048x40xf32, #tpu.memory_space<hbm>> -> memref<50048x40xf32, #tpu.memory_space<hbm>>
      %dma_wait3A_194 = arith.constant 0 : i32
      %dma_wait3A_195 = arith.constant 0 : i32
      %dma_wait3A_196 = tpu.memref_slice %dma_wait3A_193[%dma_wait3A_194, %dma_wait3A_195] : memref<50048x40xf32, #tpu.memory_space<hbm>> -> memref<50048x40xf32, #tpu.memory_space<hbm>>
      tpu.wait_indirect_dma semaphore(%arg10 : memref<!tpu.dma_semaphore, #tpu.memory_space<semaphore_mem>>) src(%dma_wait3A_196 : memref<50048x40xf32, #tpu.memory_space<hbm>>) dst(%arg7 : memref<64x40xf32, #tpu.memory_space<vmem>>)
      %dma_start3A_197 = arith.constant 1 : i32
      %dma_start3A_198 = arith.constant 0 : i32
      %dma_start3A_199 = arith.constant 0 : i32
      %dma_start3A_200 = tpu.memref_slice %arg6[%dma_start3A_197, %dma_start3A_198, %dma_start3A_199] : memref<2x2x64xi32, #tpu.memory_space<vmem>> -> memref<1x1x64xi32, #tpu.memory_space<vmem>>
      %dma_start3A_201 = tpu.memref_squeeze %dma_start3A_200 : memref<1x1x64xi32, #tpu.memory_space<vmem>> -> memref<64xi32, #tpu.memory_space<vmem>>
      %dma_start3A_202 = arith.constant 0 : i32
      %dma_start3A_203 = arith.constant 0 : i32
      %dma_start3A_204 = tpu.memref_slice %arg9[%dma_start3A_202, %dma_start3A_203] : memref<50048x40xf32, #tpu.memory_space<vmem_shared>> -> memref<50048x40xf32, #tpu.memory_space<vmem_shared>>
      tpu.enqueue_indirect_dma source(%arg7 : memref<64x40xf32, #tpu.memory_space<vmem>>) target(%dma_start3A_204 : memref<50048x40xf32, #tpu.memory_space<vmem_shared>>) offsets(%dma_start3A_201 : memref<64xi32, #tpu.memory_space<vmem>>) semaphore(%arg12 : memref<!tpu.dma_semaphore, #tpu.memory_space<semaphore_mem>>) {add = true}
      %dma_wait3A_205 = arith.constant 0 : i32
      %dma_wait3A_206 = arith.constant 0 : i32
      %dma_wait3A_207 = arith.constant 0 : i32
      %dma_wait3A_208 = arith.constant 0 : i32
      %dma_wait3A_209 = tpu.memref_slice %arg3[%arg1, %dma_wait3A_205, %dma_wait3A_206, %dma_wait3A_207, %dma_wait3A_208] : memref<16x392x2x2x64xi32, #tpu.memory_space<hbm>> -> memref<1x1x2x2x64xi32, #tpu.memory_space<hbm>>
      %dma_wait3A_210 = tpu.memref_squeeze %dma_wait3A_209 : memref<1x1x2x2x64xi32, #tpu.memory_space<hbm>> -> memref<2x2x64xi32, #tpu.memory_space<hbm>>
      %dma_wait3A_211 = arith.constant 0 : i32
      %dma_wait3A_212 = arith.constant 0 : i32
      %dma_wait3A_213 = arith.constant 0 : i32
      %dma_wait3A_214 = tpu.memref_slice %arg3[%arg1, %dma_wait3A_205, %dma_wait3A_211, %dma_wait3A_212, %dma_wait3A_213] : memref<16x392x2x2x64xi32, #tpu.memory_space<hbm>> -> memref<1x1x2x2x64xi32, #tpu.memory_space<hbm>>
      %dma_wait3A_215 = tpu.memref_squeeze %dma_wait3A_214 : memref<1x1x2x2x64xi32, #tpu.memory_space<hbm>> -> memref<2x2x64xi32, #tpu.memory_space<hbm>>
      tpu.wait_dma2 semaphore(%arg14 : memref<!tpu.dma_semaphore, #tpu.memory_space<semaphore_mem>>) src(%dma_wait3A_215 : memref<2x2x64xi32, #tpu.memory_space<hbm>>) dst(%arg5 : memref<2x2x64xi32, #tpu.memory_space<vmem>>)
      %dma_wait3A_216 = arith.constant 1 : i32
      %dma_wait3A_217 = arith.constant 0 : i32
      %dma_wait3A_218 = arith.constant 0 : i32
      %dma_wait3A_219 = tpu.memref_slice %arg5[%dma_wait3A_216, %dma_wait3A_217, %dma_wait3A_218] : memref<2x2x64xi32, #tpu.memory_space<vmem>> -> memref<1x1x64xi32, #tpu.memory_space<vmem>>
      %dma_wait3A_220 = tpu.memref_squeeze %dma_wait3A_219 : memref<1x1x64xi32, #tpu.memory_space<vmem>> -> memref<64xi32, #tpu.memory_space<vmem>>
      %dma_wait3A_221 = arith.constant 0 : i32
      %dma_wait3A_222 = arith.constant 0 : i32
      %dma_wait3A_223 = tpu.memref_slice %arg9[%dma_wait3A_221, %dma_wait3A_222] : memref<50048x40xf32, #tpu.memory_space<vmem_shared>> -> memref<50048x40xf32, #tpu.memory_space<vmem_shared>>
      tpu.wait_indirect_dma semaphore(%arg12 : memref<!tpu.dma_semaphore, #tpu.memory_space<semaphore_mem>>) src(%arg7 : memref<64x40xf32, #tpu.memory_space<vmem>>) dst(%dma_wait3A_223 : memref<50048x40xf32, #tpu.memory_space<vmem_shared>>)
      %dma_start3A_224 = arith.constant 0 : i32
      %dma_start3A_225 = arith.constant 0 : i32
      %dma_start3A_226 = arith.constant 0 : i32
      %dma_start3A_227 = tpu.memref_slice %arg5[%dma_start3A_224, %dma_start3A_225, %dma_start3A_226] : memref<2x2x64xi32, #tpu.memory_space<vmem>> -> memref<1x1x64xi32, #tpu.memory_space<vmem>>
      %dma_start3A_228 = tpu.memref_squeeze %dma_start3A_227 : memref<1x1x64xi32, #tpu.memory_space<vmem>> -> memref<64xi32, #tpu.memory_space<vmem>>
      %dma_start3A_229 = arith.constant 0 : i32
      %dma_start3A_230 = arith.constant 0 : i32
      %dma_start3A_231 = tpu.memref_slice %arg2[%arg0, %dma_start3A_229, %dma_start3A_230] : memref<2x50048x40xf32, #tpu.memory_space<hbm>> -> memref<1x50048x40xf32, #tpu.memory_space<hbm>>
      %dma_start3A_232 = tpu.memref_squeeze %dma_start3A_231 : memref<1x50048x40xf32, #tpu.memory_space<hbm>> -> memref<50048x40xf32, #tpu.memory_space<hbm>>
      %dma_start3A_233 = arith.constant 0 : i32
      %dma_start3A_234 = arith.constant 0 : i32
      %dma_start3A_235 = tpu.memref_slice %dma_start3A_232[%dma_start3A_233, %dma_start3A_234] : memref<50048x40xf32, #tpu.memory_space<hbm>> -> memref<50048x40xf32, #tpu.memory_space<hbm>>
      tpu.enqueue_indirect_dma source(%dma_start3A_235 : memref<50048x40xf32, #tpu.memory_space<hbm>>) target(%arg7 : memref<64x40xf32, #tpu.memory_space<vmem>>) offsets(%dma_start3A_228 : memref<64xi32, #tpu.memory_space<vmem>>) semaphore(%arg10 : memref<!tpu.dma_semaphore, #tpu.memory_space<semaphore_mem>>)
      %dma_wait3A_236 = arith.constant 0 : i32
      %dma_wait3A_237 = arith.constant 0 : i32
      %dma_wait3A_238 = arith.constant 0 : i32
      %dma_wait3A_239 = tpu.memref_slice %arg5[%dma_wait3A_236, %dma_wait3A_237, %dma_wait3A_238] : memref<2x2x64xi32, #tpu.memory_space<vmem>> -> memref<1x1x64xi32, #tpu.memory_space<vmem>>
      %dma_wait3A_240 = tpu.memref_squeeze %dma_wait3A_239 : memref<1x1x64xi32, #tpu.memory_space<vmem>> -> memref<64xi32, #tpu.memory_space<vmem>>
      %dma_wait3A_241 = arith.constant 0 : i32
      %dma_wait3A_242 = arith.constant 0 : i32
      %dma_wait3A_243 = tpu.memref_slice %arg2[%arg0, %dma_wait3A_241, %dma_wait3A_242] : memref<2x50048x40xf32, #tpu.memory_space<hbm>> -> memref<1x50048x40xf32, #tpu.memory_space<hbm>>
      %dma_wait3A_244 = tpu.memref_squeeze %dma_wait3A_243 : memref<1x50048x40xf32, #tpu.memory_space<hbm>> -> memref<50048x40xf32, #tpu.memory_space<hbm>>
      %dma_wait3A_245 = arith.constant 0 : i32
      %dma_wait3A_246 = arith.constant 0 : i32
      %dma_wait3A_247 = tpu.memref_slice %dma_wait3A_244[%dma_wait3A_245, %dma_wait3A_246] : memref<50048x40xf32, #tpu.memory_space<hbm>> -> memref<50048x40xf32, #tpu.memory_space<hbm>>
      tpu.wait_indirect_dma semaphore(%arg11 : memref<!tpu.dma_semaphore, #tpu.memory_space<semaphore_mem>>) src(%dma_wait3A_247 : memref<50048x40xf32, #tpu.memory_space<hbm>>) dst(%arg8 : memref<64x40xf32, #tpu.memory_space<vmem>>)
      %dma_start3A_248 = arith.constant 1 : i32
      %dma_start3A_249 = arith.constant 1 : i32
      %dma_start3A_250 = arith.constant 0 : i32
      %dma_start3A_251 = tpu.memref_slice %arg6[%dma_start3A_248, %dma_start3A_249, %dma_start3A_250] : memref<2x2x64xi32, #tpu.memory_space<vmem>> -> memref<1x1x64xi32, #tpu.memory_space<vmem>>
      %dma_start3A_252 = tpu.memref_squeeze %dma_start3A_251 : memref<1x1x64xi32, #tpu.memory_space<vmem>> -> memref<64xi32, #tpu.memory_space<vmem>>
      %dma_start3A_253 = arith.constant 0 : i32
      %dma_start3A_254 = arith.constant 0 : i32
      %dma_start3A_255 = tpu.memref_slice %arg9[%dma_start3A_253, %dma_start3A_254] : memref<50048x40xf32, #tpu.memory_space<vmem_shared>> -> memref<50048x40xf32, #tpu.memory_space<vmem_shared>>
      tpu.enqueue_indirect_dma source(%arg8 : memref<64x40xf32, #tpu.memory_space<vmem>>) target(%dma_start3A_255 : memref<50048x40xf32, #tpu.memory_space<vmem_shared>>) offsets(%dma_start3A_252 : memref<64xi32, #tpu.memory_space<vmem>>) semaphore(%arg13 : memref<!tpu.dma_semaphore, #tpu.memory_space<semaphore_mem>>) {add = true}
      %dma_start3A_256 = arith.constant 0 : i32
      %dma_start3A_257 = arith.constant 0 : i32
      %dma_start3A_258 = arith.constant 0 : i32
      %dma_start3A_259 = tpu.memref_slice %arg3[%arg1, %min3A_69, %dma_start3A_256, %dma_start3A_257, %dma_start3A_258] : memref<16x392x2x2x64xi32, #tpu.memory_space<hbm>> -> memref<1x1x2x2x64xi32, #tpu.memory_space<hbm>>
      %dma_start3A_260 = tpu.memref_squeeze %dma_start3A_259 : memref<1x1x2x2x64xi32, #tpu.memory_space<hbm>> -> memref<2x2x64xi32, #tpu.memory_space<hbm>>
      %dma_start3A_261 = arith.constant 0 : i32
      %dma_start3A_262 = arith.constant 0 : i32
      %dma_start3A_263 = arith.constant 0 : i32
      %dma_start3A_264 = tpu.memref_slice %arg3[%arg1, %min3A_69, %dma_start3A_261, %dma_start3A_262, %dma_start3A_263] : memref<16x392x2x2x64xi32, #tpu.memory_space<hbm>> -> memref<1x1x2x2x64xi32, #tpu.memory_space<hbm>>
      %dma_start3A_265 = tpu.memref_squeeze %dma_start3A_264 : memref<1x1x2x2x64xi32, #tpu.memory_space<hbm>> -> memref<2x2x64xi32, #tpu.memory_space<hbm>>
      tpu.enqueue_dma source(%dma_start3A_265 : memref<2x2x64xi32, #tpu.memory_space<hbm>>) target(%arg6 : memref<2x2x64xi32, #tpu.memory_space<vmem>>) target_semaphore(%arg15 : memref<!tpu.dma_semaphore, #tpu.memory_space<semaphore_mem>>)
    }
    %scan3A_27 = arith.constant 196 : i32
    %dma_wait3A = arith.constant 0 : i32
    %dma_wait3A_28 = arith.constant 0 : i32
    %dma_wait3A_29 = arith.constant 0 : i32
    %dma_wait3A_30 = tpu.memref_slice %arg5[%dma_wait3A, %dma_wait3A_28, %dma_wait3A_29] : memref<2x2x64xi32, #tpu.memory_space<vmem>> -> memref<1x1x64xi32, #tpu.memory_space<vmem>>
    %dma_wait3A_31 = tpu.memref_squeeze %dma_wait3A_30 : memref<1x1x64xi32, #tpu.memory_space<vmem>> -> memref<64xi32, #tpu.memory_space<vmem>>
    %dma_wait3A_32 = arith.constant 0 : i32
    %dma_wait3A_33 = arith.constant 0 : i32
    %dma_wait3A_34 = tpu.memref_slice %arg2[%arg0, %dma_wait3A_32, %dma_wait3A_33] : memref<2x50048x40xf32, #tpu.memory_space<hbm>> -> memref<1x50048x40xf32, #tpu.memory_space<hbm>>
    %dma_wait3A_35 = tpu.memref_squeeze %dma_wait3A_34 : memref<1x50048x40xf32, #tpu.memory_space<hbm>> -> memref<50048x40xf32, #tpu.memory_space<hbm>>
    %dma_wait3A_36 = arith.constant 0 : i32
    %dma_wait3A_37 = arith.constant 0 : i32
    %dma_wait3A_38 = tpu.memref_slice %dma_wait3A_35[%dma_wait3A_36, %dma_wait3A_37] : memref<50048x40xf32, #tpu.memory_space<hbm>> -> memref<50048x40xf32, #tpu.memory_space<hbm>>
    tpu.wait_indirect_dma semaphore(%arg10 : memref<!tpu.dma_semaphore, #tpu.memory_space<semaphore_mem>>) src(%dma_wait3A_38 : memref<50048x40xf32, #tpu.memory_space<hbm>>) dst(%arg7 : memref<64x40xf32, #tpu.memory_space<vmem>>)
    %dma_wait3A_39 = arith.constant 1 : i32
    %dma_wait3A_40 = arith.constant 0 : i32
    %dma_wait3A_41 = arith.constant 0 : i32
    %dma_wait3A_42 = tpu.memref_slice %arg5[%dma_wait3A_39, %dma_wait3A_40, %dma_wait3A_41] : memref<2x2x64xi32, #tpu.memory_space<vmem>> -> memref<1x1x64xi32, #tpu.memory_space<vmem>>
    %dma_wait3A_43 = tpu.memref_squeeze %dma_wait3A_42 : memref<1x1x64xi32, #tpu.memory_space<vmem>> -> memref<64xi32, #tpu.memory_space<vmem>>
    %dma_wait3A_44 = arith.constant 0 : i32
    %dma_wait3A_45 = arith.constant 0 : i32
    %dma_wait3A_46 = tpu.memref_slice %arg9[%dma_wait3A_44, %dma_wait3A_45] : memref<50048x40xf32, #tpu.memory_space<vmem_shared>> -> memref<50048x40xf32, #tpu.memory_space<vmem_shared>>
    tpu.wait_indirect_dma semaphore(%arg13 : memref<!tpu.dma_semaphore, #tpu.memory_space<semaphore_mem>>) src(%arg8 : memref<64x40xf32, #tpu.memory_space<vmem>>) dst(%dma_wait3A_46 : memref<50048x40xf32, #tpu.memory_space<vmem_shared>>)
    %dma_wait3A_47 = arith.constant 0 : i32
    %dma_wait3A_48 = arith.constant 0 : i32
    %dma_wait3A_49 = arith.constant 0 : i32
    %dma_wait3A_50 = arith.constant 0 : i32
    %dma_wait3A_51 = tpu.memref_slice %arg3[%arg1, %dma_wait3A_47, %dma_wait3A_48, %dma_wait3A_49, %dma_wait3A_50] : memref<16x392x2x2x64xi32, #tpu.memory_space<hbm>> -> memref<1x1x2x2x64xi32, #tpu.memory_space<hbm>>
    %dma_wait3A_52 = tpu.memref_squeeze %dma_wait3A_51 : memref<1x1x2x2x64xi32, #tpu.memory_space<hbm>> -> memref<2x2x64xi32, #tpu.memory_space<hbm>>
    %dma_wait3A_53 = arith.constant 0 : i32
    %dma_wait3A_54 = arith.constant 0 : i32
    %dma_wait3A_55 = arith.constant 0 : i32
    %dma_wait3A_56 = tpu.memref_slice %arg3[%arg1, %dma_wait3A_47, %dma_wait3A_53, %dma_wait3A_54, %dma_wait3A_55] : memref<16x392x2x2x64xi32, #tpu.memory_space<hbm>> -> memref<1x1x2x2x64xi32, #tpu.memory_space<hbm>>
    %dma_wait3A_57 = tpu.memref_squeeze %dma_wait3A_56 : memref<1x1x2x2x64xi32, #tpu.memory_space<hbm>> -> memref<2x2x64xi32, #tpu.memory_space<hbm>>
    tpu.wait_dma2 semaphore(%arg15 : memref<!tpu.dma_semaphore, #tpu.memory_space<semaphore_mem>>) src(%dma_wait3A_57 : memref<2x2x64xi32, #tpu.memory_space<hbm>>) dst(%arg6 : memref<2x2x64xi32, #tpu.memory_space<vmem>>)
    %barrier3A_58 = arith.constant 0 : index
    tpu.barrier barrier_id(%barrier3A_58)
    "tpu.region"() ({
      %run_scoped3A_59 = tpu.sem_alloc : memref<!tpu.dma_semaphore, #tpu.memory_space<semaphore_mem>>
      %dma_start3A_60 = arith.constant 0 : i32
      %dma_start3A_61 = tpu.memref_slice %arg4[%arg0, %mul3A_0, %dma_start3A_60] : memref<2x50048x40xf32, #tpu.memory_space<hbm>> -> memref<1x3128x40xf32, #tpu.memory_space<hbm>>
      %dma_start3A_62 = tpu.memref_squeeze %dma_start3A_61 : memref<1x3128x40xf32, #tpu.memory_space<hbm>> -> memref<3128x40xf32, #tpu.memory_space<hbm>>
      %dma_start3A_63 = arith.constant 0 : i32
      %dma_start3A_64 = tpu.memref_slice %arg9[%mul3A_0, %dma_start3A_63] : memref<50048x40xf32, #tpu.memory_space<vmem_shared>> -> memref<3128x40xf32, #tpu.memory_space<vmem_shared>>
      tpu.enqueue_dma source(%dma_start3A_64 : memref<3128x40xf32, #tpu.memory_space<vmem_shared>>) target(%dma_start3A_62 : memref<3128x40xf32, #tpu.memory_space<hbm>>) target_semaphore(%run_scoped3A_59 : memref<!tpu.dma_semaphore, #tpu.memory_space<semaphore_mem>>)
      %dma_wait3A_65 = arith.constant 0 : i32
      %dma_wait3A_66 = tpu.memref_slice %arg4[%arg0, %mul3A_0, %dma_wait3A_65] : memref<2x50048x40xf32, #tpu.memory_space<hbm>> -> memref<1x3128x40xf32, #tpu.memory_space<hbm>>
      %dma_wait3A_67 = tpu.memref_squeeze %dma_wait3A_66 : memref<1x3128x40xf32, #tpu.memory_space<hbm>> -> memref<3128x40xf32, #tpu.memory_space<hbm>>
      %dma_wait3A_68 = arith.constant 0 : i32
      %dma_wait3A_69 = tpu.memref_slice %arg9[%mul3A_0, %dma_wait3A_68] : memref<50048x40xf32, #tpu.memory_space<vmem_shared>> -> memref<3128x40xf32, #tpu.memory_space<vmem_shared>>
      tpu.wait_dma2 semaphore(%run_scoped3A_59 : memref<!tpu.dma_semaphore, #tpu.memory_space<semaphore_mem>>) src(%dma_wait3A_69 : memref<3128x40xf32, #tpu.memory_space<vmem_shared>>) dst(%dma_wait3A_67 : memref<3128x40xf32, #tpu.memory_space<hbm>>)
      tpu.yield
    }) : () -> ()
    return
  }
}

module attributes {stable_mosaic.version = 14 : i64} {
  func.func @_tc_mlp_pool_body(%arg0: i32, %arg1: memref<1x2048x40xf32, #tpu.memory_space<vmem>>, %arg2: memref<1x2048x40xf32, #tpu.memory_space<vmem>>, %arg3: memref<2048x1xi32, #tpu.memory_space<vmem>>, %arg4: memref<40x128xbf16, #tpu.memory_space<vmem>>, %arg5: memref<40x128xbf16, #tpu.memory_space<vmem>>, %arg6: memref<1x128xf32, #tpu.memory_space<vmem>>, %arg7: memref<128x128xbf16, #tpu.memory_space<vmem>>, %arg8: memref<1x128xf32, #tpu.memory_space<vmem>>, %arg9: memref<1024x128xf32, #tpu.memory_space<vmem>>, %arg10: memref<1024x8xf32, #tpu.memory_space<vmem>>) attributes {dimension_semantics = [#tpu.dimension_semantics<arbitrary>], iteration_bounds = array<i64: 25>, scalar_prefetch = 0 : i64, scratch_operands = 1 : i64, tpu.core_type = #tpu.core_type<tc>, window_params = [{transform_indices = @transform_0, window_bounds = array<i64: 1, 2048, 40>}, {transform_indices = @transform_1, window_bounds = array<i64: 1, 2048, 40>}, {transform_indices = @transform_2, window_bounds = array<i64: 2048, 1>}, {pipeline_mode = #tpu.pipeline_mode<synchronous>, transform_indices = @transform_3, window_bounds = array<i64: 40, 128>}, {pipeline_mode = #tpu.pipeline_mode<synchronous>, transform_indices = @transform_4, window_bounds = array<i64: 40, 128>}, {pipeline_mode = #tpu.pipeline_mode<synchronous>, transform_indices = @transform_5, window_bounds = array<i64: 1, 128>}, {pipeline_mode = #tpu.pipeline_mode<synchronous>, transform_indices = @transform_6, window_bounds = array<i64: 128, 128>}, {pipeline_mode = #tpu.pipeline_mode<synchronous>, transform_indices = @transform_7, window_bounds = array<i64: 1, 128>}, {pipeline_mode = #tpu.pipeline_mode<synchronous>, transform_indices = @transform_8, window_bounds = array<i64: 1024, 128>}]} {
    %eq3A = arith.constant 0 : i32
    %eq3A_0 = arith.cmpi eq, %arg0, %eq3A : i32
    %convert_element_type3A = arith.extui %eq3A_0 : i1 to i32
    %cond3A = arith.constant 0 : i32
    %cond3A_1 = arith.cmpi ne, %convert_element_type3A, %cond3A : i32
    scf.if %cond3A_1 {
      %broadcast_in_dim3A_88 = arith.constant 0.000000e+00 : f32
      %broadcast_in_dim3A_89 = vector.broadcast %broadcast_in_dim3A_88 : f32 to vector<1024x128xf32>
      %swap3A_90 = arith.constant 0 : index
      %swap3A_91 = arith.constant 0 : index
      %swap3A_92 = vector.load %arg9[%swap3A_90, %swap3A_91] : memref<1024x128xf32, #tpu.memory_space<vmem>>, vector<1024x128xf32>
      tpu.vector_store %arg9[%swap3A_90, %swap3A_91], %broadcast_in_dim3A_89 {strides = array<i32>} : memref<1024x128xf32, #tpu.memory_space<vmem>>, vector<1024x128xf32>,
      %broadcast_in_dim3A_93 = arith.constant 0.000000e+00 : f32
      %broadcast_in_dim3A_94 = vector.broadcast %broadcast_in_dim3A_93 : f32 to vector<1024x8xf32>
      %swap3A_95 = arith.constant 0 : index
      %swap3A_96 = arith.constant 0 : index
      %swap3A_97 = vector.load %arg10[%swap3A_95, %swap3A_96] : memref<1024x8xf32, #tpu.memory_space<vmem>>, vector<1024x8xf32>
      tpu.vector_store %arg10[%swap3A_95, %swap3A_96], %broadcast_in_dim3A_94 {strides = array<i32>} : memref<1024x8xf32, #tpu.memory_space<vmem>>, vector<1024x8xf32>,
    } else {
    }
    %get3A = arith.constant 0 : index
    %get3A_2 = arith.constant 0 : index
    %get3A_3 = arith.constant 0 : index
    %get3A_4 = vector.load %arg1[%get3A, %get3A_2, %get3A_3] : memref<1x2048x40xf32, #tpu.memory_space<vmem>>, vector<1x2048x40xf32>
    %get3A_5 = vector.shape_cast %get3A_4 : vector<1x2048x40xf32> to vector<2048x40xf32>
    %convert_element_type3A_6 = arith.truncf %get3A_5 : vector<2048x40xf32> to vector<2048x40xbf16>
    %get3A_7 = arith.constant 0 : index
    %get3A_8 = arith.constant 0 : index
    %get3A_9 = arith.constant 0 : index
    %get3A_10 = vector.load %arg2[%get3A_7, %get3A_8, %get3A_9] : memref<1x2048x40xf32, #tpu.memory_space<vmem>>, vector<1x2048x40xf32>
    %get3A_11 = vector.shape_cast %get3A_10 : vector<1x2048x40xf32> to vector<2048x40xf32>
    %convert_element_type3A_12 = arith.truncf %get3A_11 : vector<2048x40xf32> to vector<2048x40xbf16>
    %get3A_13 = arith.constant 0 : index
    %get3A_14 = arith.constant 0 : index
    %get3A_15 = vector.load %arg4[%get3A_13, %get3A_14] : memref<40x128xbf16, #tpu.memory_space<vmem>>, vector<40x128xbf16>
    %dot_general3A = arith.constant dense<0.000000e+00> : vector<2048x128xf32>
    %dot_general3A_16 = tpu.matmul %convert_element_type3A_6, %get3A_15, %dot_general3A {dimension_numbers = #tpu.dot_dimension_numbers<[1], [0], [0], [1], [0, 0, 1, 1], [], []>, transpose_lhs_hint = false} : vector<2048x40xbf16>, vector<40x128xbf16>, vector<2048x128xf32> -> vector<2048x128xf32>
    %get3A_17 = arith.constant 0 : index
    %get3A_18 = arith.constant 0 : index
    %get3A_19 = vector.load %arg5[%get3A_17, %get3A_18] : memref<40x128xbf16, #tpu.memory_space<vmem>>, vector<40x128xbf16>
    %dot_general3A_20 = arith.constant dense<0.000000e+00> : vector<2048x128xf32>
    %dot_general3A_21 = tpu.matmul %convert_element_type3A_12, %get3A_19, %dot_general3A_20 {dimension_numbers = #tpu.dot_dimension_numbers<[1], [0], [0], [1], [0, 0, 1, 1], [], []>, transpose_lhs_hint = false} : vector<2048x40xbf16>, vector<40x128xbf16>, vector<2048x128xf32> -> vector<2048x128xf32>
    %add3A = arith.addf %dot_general3A_16, %dot_general3A_21 : vector<2048x128xf32>
    %get3A_22 = arith.constant 0 : index
    %get3A_23 = arith.constant 0 : index
    %get3A_24 = vector.load %arg6[%get3A_22, %get3A_23] : memref<1x128xf32, #tpu.memory_space<vmem>>, vector<1x128xf32>
    %add3A_25 = vector.broadcast %get3A_24 : vector<1x128xf32> to vector<2048x128xf32>
    %add3A_26 = arith.addf %add3A, %add3A_25 : vector<2048x128xf32>
    %max3A = arith.constant 0.000000e+00 : f32
    %max3A_27 = vector.broadcast %max3A : f32 to vector<2048x128xf32>
    %max3A_28 = arith.maximumf %add3A_26, %max3A_27 : vector<2048x128xf32>
    %convert_element_type3A_29 = arith.truncf %max3A_28 : vector<2048x128xf32> to vector<2048x128xbf16>
    %get3A_30 = arith.constant 0 : index
    %get3A_31 = arith.constant 0 : index
    %get3A_32 = vector.load %arg7[%get3A_30, %get3A_31] : memref<128x128xbf16, #tpu.memory_space<vmem>>, vector<128x128xbf16>
    %dot_general3A_33 = arith.constant dense<0.000000e+00> : vector<2048x128xf32>
    %dot_general3A_34 = tpu.matmul %convert_element_type3A_29, %get3A_32, %dot_general3A_33 {dimension_numbers = #tpu.dot_dimension_numbers<[1], [0], [0], [1], [0, 0, 1, 1], [], []>, transpose_lhs_hint = false} : vector<2048x128xbf16>, vector<128x128xbf16>, vector<2048x128xf32> -> vector<2048x128xf32>
    %get3A_35 = arith.constant 0 : index
    %get3A_36 = arith.constant 0 : index
    %get3A_37 = vector.load %arg8[%get3A_35, %get3A_36] : memref<1x128xf32, #tpu.memory_space<vmem>>, vector<1x128xf32>
    %add3A_38 = vector.broadcast %get3A_37 : vector<1x128xf32> to vector<2048x128xf32>
    %add3A_39 = arith.addf %dot_general3A_34, %add3A_38 : vector<2048x128xf32>
    %mul3A = arith.constant 2048 : i32
    %mul3A_40 = arith.muli %arg0, %mul3A : i32
    %iota3A = tpu.iota {dimensions = array<i32: 0>} : vector<2048x1xi32>
    %add3A_41 = vector.broadcast %mul3A_40 : i32 to vector<2048x1xi32>
    %add3A_42 = arith.addi %add3A_41, %iota3A : vector<2048x1xi32>
    %lt3A = arith.constant 50000 : i32
    %lt3A_43 = vector.broadcast %lt3A : i32 to vector<2048x1xi32>
    %lt3A_44 = arith.cmpi slt, %add3A_42, %lt3A_43 : vector<2048x1xi32>
    %jit3A = arith.constant 0.000000e+00 : f32
    %broadcast_in_dim3A = vector.shape_cast %lt3A_44 : vector<2048x1xi1> to vector<2048x1xi1>
    %broadcast_in_dim3A_45 = vector.broadcast %broadcast_in_dim3A : vector<2048x1xi1> to vector<2048x128xi1>
    %broadcast_in_dim3A_46 = vector.broadcast %jit3A : f32 to vector<2048x128xf32>
    %select_n3A = arith.select %broadcast_in_dim3A_45, %add3A_39, %broadcast_in_dim3A_46 : vector<2048x128xi1>, vector<2048x128xf32>
    %convert_element_type3A_47 = arith.truncf %select_n3A : vector<2048x128xf32> to vector<2048x128xbf16>
    %get3A_48 = arith.constant 0 : index
    %get3A_49 = arith.constant 0 : index
    %get3A_50 = vector.load %arg3[%get3A_48, %get3A_49] : memref<2048x1xi32, #tpu.memory_space<vmem>>, vector<2048x1xi32>
    %iota3A_51 = tpu.iota {dimensions = array<i32: 1>} : vector<2048x1024xi32>
    %eq3A_52 = vector.broadcast %get3A_50 : vector<2048x1xi32> to vector<2048x1024xi32>
    %eq3A_53 = arith.cmpi eq, %eq3A_52, %iota3A_51 : vector<2048x1024xi32>
    %lt3A_54 = arith.constant 50000 : i32
    %lt3A_55 = vector.broadcast %lt3A_54 : i32 to vector<2048x1xi32>
    %lt3A_56 = arith.cmpi slt, %add3A_42, %lt3A_55 : vector<2048x1xi32>
    %and3A = vector.broadcast %lt3A_56 : vector<2048x1xi1> to vector<2048x1024xi1>
    %and3A_57 = arith.andi %eq3A_53, %and3A : vector<2048x1024xi1>
    %jit3A_58 = arith.constant 1.000000e+00 : f32
    %jit3A_59 = arith.constant 0.000000e+00 : f32
    %broadcast_in_dim3A_60 = vector.broadcast %jit3A_58 : f32 to vector<2048x1024xf32>
    %broadcast_in_dim3A_61 = vector.broadcast %jit3A_59 : f32 to vector<2048x1024xf32>
    %select_n3A_62 = arith.select %and3A_57, %broadcast_in_dim3A_60, %broadcast_in_dim3A_61 : vector<2048x1024xi1>, vector<2048x1024xf32>
    %convert_element_type3A_63 = arith.truncf %select_n3A_62 : vector<2048x1024xf32> to vector<2048x1024xbf16>
    %get3A_64 = arith.constant 0 : index
    %get3A_65 = arith.constant 0 : index
    %get3A_66 = vector.load %arg9[%get3A_64, %get3A_65] : memref<1024x128xf32, #tpu.memory_space<vmem>>, vector<1024x128xf32>
    %dot_general3A_67 = arith.constant dense<0.000000e+00> : vector<1024x128xf32>
    %dot_general3A_68 = tpu.matmul %convert_element_type3A_63, %convert_element_type3A_47, %dot_general3A_67 {dimension_numbers = #tpu.dot_dimension_numbers<[0], [0], [1], [1], [0, 1, 1, 1], [], []>, transpose_lhs_hint = false} : vector<2048x1024xbf16>, vector<2048x128xbf16>, vector<1024x128xf32> -> vector<1024x128xf32>
    %add3A_69 = arith.addf %get3A_66, %dot_general3A_68 : vector<1024x128xf32>
    %swap3A = arith.constant 0 : index
    %swap3A_70 = arith.constant 0 : index
    %swap3A_71 = vector.load %arg9[%swap3A, %swap3A_70] : memref<1024x128xf32, #tpu.memory_space<vmem>>, vector<1024x128xf32>
    tpu.vector_store %arg9[%swap3A, %swap3A_70], %add3A_69 {strides = array<i32>} : memref<1024x128xf32, #tpu.memory_space<vmem>>, vector<1024x128xf32>,
    %get3A_72 = arith.constant 0 : index
    %get3A_73 = arith.constant 0 : index
    %get3A_74 = vector.load %arg10[%get3A_72, %get3A_73] : memref<1024x8xf32, #tpu.memory_space<vmem>>, vector<1024x8xf32>
    %broadcast_in_dim3A_75 = arith.constant 1.000000e+00 : bf16
    %broadcast_in_dim3A_76 = vector.broadcast %broadcast_in_dim3A_75 : bf16 to vector<2048x8xbf16>
    %dot_general3A_77 = arith.constant dense<0.000000e+00> : vector<1024x8xf32>
    %dot_general3A_78 = tpu.matmul %convert_element_type3A_63, %broadcast_in_dim3A_76, %dot_general3A_77 {dimension_numbers = #tpu.dot_dimension_numbers<[0], [0], [1], [1], [0, 1, 1, 1], [], []>, transpose_lhs_hint = false} : vector<2048x1024xbf16>, vector<2048x8xbf16>, vector<1024x8xf32> -> vector<1024x8xf32>
    %add3A_79 = arith.addf %get3A_74, %dot_general3A_78 : vector<1024x8xf32>
    %swap3A_80 = arith.constant 0 : index
    %swap3A_81 = arith.constant 0 : index
    %swap3A_82 = vector.load %arg10[%swap3A_80, %swap3A_81] : memref<1024x8xf32, #tpu.memory_space<vmem>>, vector<1024x8xf32>
    tpu.vector_store %arg10[%swap3A_80, %swap3A_81], %add3A_79 {strides = array<i32>} : memref<1024x8xf32, #tpu.memory_space<vmem>>, vector<1024x8xf32>,
    %eq3A_83 = arith.constant 24 : i32
    %eq3A_84 = arith.cmpi eq, %arg0, %eq3A_83 : i32
    %convert_element_type3A_85 = arith.extui %eq3A_84 : i1 to i32
    %cond3A_86 = arith.constant 0 : i32
    %cond3A_87 = arith.cmpi ne, %convert_element_type3A_85, %cond3A_86 : i32
    scf.if %cond3A_87 {
      %get3A_88 = arith.constant 0 : index
      %get3A_89 = arith.constant 0 : index
      %get3A_90 = vector.load %arg10[%get3A_88, %get3A_89] : memref<1024x8xf32, #tpu.memory_space<vmem>>, vector<1024x1xf32>
      %max3A_91 = arith.constant 1.000000e+00 : f32
      %max3A_92 = vector.broadcast %max3A_91 : f32 to vector<1024x1xf32>
      %max3A_93 = arith.maximumf %get3A_90, %max3A_92 : vector<1024x1xf32>
      %get3A_94 = arith.constant 0 : index
      %get3A_95 = arith.constant 0 : index
      %get3A_96 = vector.load %arg9[%get3A_94, %get3A_95] : memref<1024x128xf32, #tpu.memory_space<vmem>>, vector<1024x128xf32>
      %div3A = vector.broadcast %max3A_93 : vector<1024x1xf32> to vector<1024x128xf32>
      %div3A_97 = arith.divf %get3A_96, %div3A : vector<1024x128xf32>
      %swap3A_98 = arith.constant 0 : index
      %swap3A_99 = arith.constant 0 : index
      %swap3A_100 = vector.load %arg9[%swap3A_98, %swap3A_99] : memref<1024x128xf32, #tpu.memory_space<vmem>>, vector<1024x128xf32>
      tpu.vector_store %arg9[%swap3A_98, %swap3A_99], %div3A_97 {strides = array<i32>} : memref<1024x128xf32, #tpu.memory_space<vmem>>, vector<1024x128xf32>,
    } else {
    }
    return
  }
  func.func @transform_0(%arg0: i32) -> (i32, i32, i32) {
    %c0_i32 = arith.constant 0 : i32
    %c0_i32_0 = arith.constant 0 : i32
    %c0_i32_1 = arith.constant 0 : i32
    return %c0_i32, %arg0, %c0_i32_0 : i32, i32, i32
  }
  func.func @transform_1(%arg0: i32) -> (i32, i32, i32) {
    %c1_i32 = arith.constant 1 : i32
    %c0_i32 = arith.constant 0 : i32
    %c0_i32_0 = arith.constant 0 : i32
    return %c1_i32, %arg0, %c0_i32 : i32, i32, i32
  }
  func.func @transform_2(%arg0: i32) -> (i32, i32) {
    %c0_i32 = arith.constant 0 : i32
    %c0_i32_0 = arith.constant 0 : i32
    return %arg0, %c0_i32 : i32, i32
  }
  func.func @transform_3(%arg0: i32) -> (i32, i32) {
    %c0_i32 = arith.constant 0 : i32
    %c0_i32_0 = arith.constant 0 : i32
    %c0_i32_1 = arith.constant 0 : i32
    return %c0_i32, %c0_i32_0 : i32, i32
  }
  func.func @transform_4(%arg0: i32) -> (i32, i32) {
    %c0_i32 = arith.constant 0 : i32
    %c0_i32_0 = arith.constant 0 : i32
    %c0_i32_1 = arith.constant 0 : i32
    return %c0_i32, %c0_i32_0 : i32, i32
  }
  func.func @transform_5(%arg0: i32) -> (i32, i32) {
    %c0_i32 = arith.constant 0 : i32
    %c0_i32_0 = arith.constant 0 : i32
    %c0_i32_1 = arith.constant 0 : i32
    return %c0_i32, %c0_i32_0 : i32, i32
  }
  func.func @transform_6(%arg0: i32) -> (i32, i32) {
    %c0_i32 = arith.constant 0 : i32
    %c0_i32_0 = arith.constant 0 : i32
    %c0_i32_1 = arith.constant 0 : i32
    return %c0_i32, %c0_i32_0 : i32, i32
  }
  func.func @transform_7(%arg0: i32) -> (i32, i32) {
    %c0_i32 = arith.constant 0 : i32
    %c0_i32_0 = arith.constant 0 : i32
    %c0_i32_1 = arith.constant 0 : i32
    return %c0_i32, %c0_i32_0 : i32, i32
  }
  func.func @transform_8(%arg0: i32) -> (i32, i32) {
    %c0_i32 = arith.constant 0 : i32
    %c0_i32_0 = arith.constant 0 : i32
    %c0_i32_1 = arith.constant 0 : i32
    return %c0_i32, %c0_i32_0 : i32, i32
  }
}

</mosaic_0001>

<sc_bundles>
// kernel: kernel.4.cloned.1.call-start
scs
__scs_entry_jumppad:
0x0: {  	(pc) =	sbr.rel $0x88, $3  }
0x1: {  	(tag) =	ssettag $0x0;
	lr =	simm.s32 $0x1  }
0x2: {  	[smem:$0x3F9A] =	sst lr;
	_ =	strace $0xD0000000  }
0x3: {  	_ = 	snop  }
0x4: {  	_ = 	snop  }
0x5: {  	_ = 	snop  }
0x6: {  	_ = 	snop  }
0x7: {  	_ = 	snop  }
__scs_overlays_trampoline_lowered:
0x8: {  	[smem:$0x3FA9] =	sst s0  }
0x9: {  	[smem:$0x3FAA] =	sst s1  }
0xa: {  	[smem:$0x3FAB] =	sst s2  }
0xb: {  	[smem:$0x3FAC] =	sst s3  }
0xc: {  	[smem:$0x3FAD] =	sst s4  }
0xd: {  	[smem:$0x3FAE] =	sst s5  }
0xe: {  	[smem:$0x3FAF] =	sst s6  }
0xf: {  	[smem:$0x3FB0] =	sst s7  }
0x10: {  	[smem:$0x3FB1] =	sst s8  }
0x11: {  	[smem:$0x3FB2] =	sst s9;
	s0 =	simm.s32 @!p0 $0x0  }
0x12: {  	s1 =	sld [smem:$0x3F98];
	s0 =	simm.s32 @p0 $0x1  }
0x13: {  	[smem:$0x3FB3] =	sst s0;
	s0 =	simm.s32 @!p1 $0x0  }
0x14: {  	s2 =	sld [smem:$0x3F97];
	s0 =	simm.s32 @p1 $0x1  }
0x15: {  	[smem:$0x3FB4] =	sst s0;
	s0 =	simm.s32 @!p2 $0x0  }
0x16: {  	s3 =	sld [smem:$0x3FDB];
	s0 =	simm.s32 @p2 $0x1  }
0x17: {  	s4 =	simm.s32 $0x1BF5;
	[smem:$0x3FB6] =	sst s0  }
0x18: {  	s0 =	sld [smem:$0x3F99];
	_ =	swait.ge [sflag:s4], $0x0  }
0x19: {  	s7 =	sld [smem:$0x3F9A]  }
0x1a: {  	s8 =	sadd.s32 $0xFFFFE003, lr  }
0x1b: {  	s9 =	sadd.s32 $0xFFFFFEF7, lr;
	s5 =	simm.s32 $0xFFFFFFFF;
	p2 =	slt.u32 s8, $0xFFFFF086  }
0x1c: {  	p1 =	slt.u32 s9, $0xF7A;
	s5 =	simm.s32 @!p2 $0x0  }
0x1d: {  	s5 =	simm.s32 @p1 $0x1;
	p0 =	seq.s32 s7, s2  }
0x1e: {  	s7 =	smul.u32 @!p0 $0xF7A, s2;
	p2 =	seq.s32 @!p0 s5, $0x0  }
0x1f: {  	s9 =	smul.u32 $0xF7A, s1;
	s8 =	simm.s32 @!p0 $0x1BF5;
	p2 =	por !p2, p0  }
0x20: {  	[sflag:s8] =	ssyncset.s32 @!p0 $0xFFFFF086;
	s6 =	sadd.s32 @!p0 s3, s7;
	s7 =	simm.s32 @!p0 $0x108  }
0x21: {  	s3 =	sadd.s32 s3, s9;
	s6 =	sadd.s32 @!p0 $0x88, s6;
	s7 =	simm.s32 @p2 $0x1082  }
0x22: {  	[simem:s7], [sflag:s8] =	dma.local @!p0 [hbm:s6], $0xF7A  }
0x23: {  	s9 =	sor.u32 $0xD0000000, s2;
	s6 =	simm.s32 $0x108;
	_ =	swait.ge @!p0 [sflag:s8], $0x0  }
0x24: {  	s3 =	sadd.s32 $0x88, s3;
	s6 =	simm.s32 @!p1 $0x1082;
	[sflag:s4] =	ssyncset.s32 $0xFFFFF086  }
0x25: {  	[simem:s6], [sflag:s4] =	dma.local [hbm:s3], $0xF7A  }
0x26: {  	[smem:$0x3F9A] =	sst s1;
	(tag) =	ssettag s2;
	_ =	strace s9  }
0x27: {  	s1 =	sld [smem:$0x3FAA]  }
0x28: {  	s2 =	sld [smem:$0x3FAB]  }
0x29: {  	s4 =	sld [smem:$0x3FAD]  }
0x2a: {  	p0 =	seq.s32 s5, $0x0;
	s5 =	sld [smem:$0x3FAE]  }
0x2b: {  	s6 =	sld [smem:$0x3FAF]  }
0x2c: {  	s7 =	sld [smem:$0x3FB0]  }
0x2d: {  	s3 =	simm.s32 $0x108;
	s8 =	sld [smem:$0x3FB1]  }
0x2e: {  	s3 =	simm.s32 @!p0 $0x1082;
	s9 =	sld [smem:$0x3FB2]  }
0x2f: {  	lr =	sadd.s32 s0, s3;
	s0 =	sld [smem:$0x3FA9]  }
0x30: {  	s3 =	sld [smem:$0x3FAC]  }
0x31: {  	[smem:$0x3FB5] =	sst s10  }
0x32: {  	s10 =	sld [smem:$0x3FB3];
	_ =	sdelay $0x3  }
0x33: {  	p0 =	seq.s32 s10, $0x1;
	s10 =	sld [smem:$0x3FB5];
	_ =	sdelay $0x3  }
0x34: {  	[smem:$0x3FB5] =	sst s10  }
0x35: {  	s10 =	sld [smem:$0x3FB4];
	_ =	sdelay $0x3  }
0x36: {  	p1 =	seq.s32 s10, $0x1;
	s10 =	sld [smem:$0x3FB5];
	_ =	sdelay $0x3  }
0x37: {  	[smem:$0x3FB5] =	sst s10  }
0x38: {  	s10 =	sld [smem:$0x3FB6]  }
0x39: {  	_ = 	snop;
	(pc) =	sbr.ind lr, $3  }
0x3a: {  	_ = 	snop  }
0x3b: {  	_ = 	snop  }
0x3c: {  	p2 =	seq.s32 s10, $0x1;
	s10 =	sld [smem:$0x3FB5]  }
0x3d: {  	_ =	shalt  }
0x3e: {  	_ =	shalt  }
0x3f: {  	_ =	shalt  }
0x40: {  	_ =	shalt  }
0x41: {  	_ =	shalt  }
0x42: {  	_ =	shalt  }
0x43: {  	_ =	shalt  }
0x44: {  	_ =	shalt  }
0x45: {  	_ =	shalt  }
0x46: {  	_ =	shalt  }
0x47: {  	_ =	shalt  }
0x48: {  	_ =	shalt  }
0x49: {  	_ =	shalt  }
0x4a: {  	_ =	shalt  }
0x4b: {  	_ =	shalt  }
0x4c: {  	_ =	shalt  }
0x4d: {  	_ =	shalt  }
0x4e: {  	_ =	shalt  }
0x4f: {  	_ =	shalt  }
0x50: {  	_ =	shalt  }
0x51: {  	_ =	shalt  }
0x52: {  	_ =	shalt  }
0x53: {  	_ =	shalt  }
0x54: {  	_ =	shalt  }
0x55: {  	_ =	shalt  }
0x56: {  	_ =	shalt  }
0x57: {  	_ =	shalt  }
0x58: {  	_ =	shalt  }
0x59: {  	_ =	shalt  }
0x5a: {  	_ =	shalt  }
0x5b: {  	_ =	shalt  }
0x5c: {  	_ =	shalt  }
0x5d: {  	_ =	shalt  }
0x5e: {  	_ =	shalt  }
0x5f: {  	_ =	shalt  }
0x60: {  	_ =	shalt  }
0x61: {  	_ =	shalt  }
0x62: {  	_ =	shalt  }
0x63: {  	_ =	shalt  }
0x64: {  	_ =	shalt  }
0x65: {  	_ =	shalt  }
0x66: {  	_ =	shalt  }
0x67: {  	_ =	shalt  }
0x68: {  	_ =	shalt  }
0x69: {  	_ =	shalt  }
0x6a: {  	_ =	shalt  }
0x6b: {  	_ =	shalt  }
0x6c: {  	_ =	shalt  }
0x6d: {  	_ =	shalt  }
0x6e: {  	_ =	shalt  }
0x6f: {  	_ =	shalt  }
0x70: {  	_ =	shalt  }
0x71: {  	_ =	shalt  }
0x72: {  	_ =	shalt  }
0x73: {  	_ =	shalt  }
0x74: {  	_ =	shalt  }
0x75: {  	_ =	shalt  }
0x76: {  	_ =	shalt  }
0x77: {  	_ =	shalt  }
0x78: {  	_ =	shalt  }
0x79: {  	_ =	shalt  }
0x7a: {  	_ =	shalt  }
0x7b: {  	_ =	shalt  }
0x7c: {  	_ =	shalt  }
0x7d: {  	_ =	shalt  }
0x7e: {  	_ =	shalt  }
0x7f: {  	_ =	shalt  }
0x80: {  	_ =	shalt  }
0x81: {  	_ =	shalt  }
0x82: {  	_ =	shalt  }
0x83: {  	_ =	shalt  }
0x84: {  	_ =	shalt  }
0x85: {  	_ =	shalt  }
0x86: {  	_ =	shalt  }
0x87: {  	_ =	shalt  }
.Lfunc_end0:
.L_simem_size_0:
called_computation_lowered:
.L_overlay_start_0:
0x88: {  	s2 =	sld [smem:$0x3FD9]  }
0x89: {  	s3 =	sld [smem:$0x3FFE];
	_ =	sdelay $0x1  }
0x8a: {  	s1 =	srdreg.scid  }
0x8b: {  	s0 =	sand.u32 $0x1, s1  }
0x8c: {  	s16 =	sshll.u32 s0, $0xA;
	s2 =	sadd.s32 s3, s2  }
0x8d: {  	s2 =	sadd.s32 s2, s16  }
0x8e: {  	[smem:$0x3FC1] =	sst s2  }
0x8f: {  	_ = 	snop  }
0x90: {  	(tm) =	ssettm $0x1  }
0x91: {  	s17 =	sld [smem:$0x3FFB];
	_ =	sdelay $0x3  }
0x92: {  	_ =	strace s17  }
0x93: {  	s2 =	sld [smem:$0x3FFC];
	_ =	sdelay $0x3  }
0x94: {  	_ =	strace s2  }
0x95: {  	s2 =	sld [smem:$0x3FFD];
	_ =	sdelay $0x3  }
0x96: {  	_ =	strace s2  }
0x97: {  	_ =	strace $0x8FFFFFFF  }
0x98: {  	s18 =	sld [smem:$0x3FDB];
	_ =	sdelay $0x1  }
0x99: {  	s19 =	simm.s32 $_scs_section_size  }
0x9a: {  	s4 =	simm.s32 $_size__tile_overlayer_lowered;
	s5 =	simm.s32 $_tile_overlayer_lowered  }
0x9b: {  	s22 =	simm.s32 $0x1BFF;
	s21 =	sshll.u32 s5, $0x1;
	s2 =	sadd.s32 s19, s18  }
0x9c: {  	s6 =	simm.s32 $0x0;
	s20 =	sshll.u32 s4, $0x1;
	s4 =	sadd.s32 s21, s2  }
0x9d: {  	[timem:s6], [sflag:s22] =	dma.local [hbm:s4], s20  }
0x9e: {  	_ =	swait.ge [sflag:s22], s20  }
0x9f: {  	s3 =	ssub.s32 $0x0, s20;
	[sflag:s22] =	ssyncset.done $0x0  }
0xa0: {  	[sflag:s22] =	ssyncadd.s32 s3;
	_ =	sdelay $0x1  }
0xa1: {  	s23 =	simm.s32 $0x1B8B  }
0xa2: {  	_ =	swait.ge [sflag:s23], $0x1  }
0xa3: {  	[sflag:s23] =	ssyncset.done $0x0  }
0xa4: {  	s25 =	simm.s32 $0x1B8E;
	s24 =	sld [smem:$0x3FFE];
	[sflag:s23] =	ssyncadd.s32 $0xFFFFFFFF  }
0xa5: {  	s26 =	simm.s32 $execute0_lowered;
	[smem:$0x3FD2] =	sst s25  }
0xa6: {  	s4 =	sshll.u32 s26, $0x1;
	_ =	strace $0x80000046;
	[dreg:$0x1] =	wrdreg $0xFFFFFFFF  }
0xa7: {  	s28 =	simm.s32 $_size_execute0_lowered;
	s2 =	sadd.s32 s2, s4;
	[dreg:$0x0] =	wrdreg $0x0  }
0xa8: {  	s4 =	sshll.u32 s28, $0x1;
	[dreg:$0x2] =	wrdreg s2  }
0xa9: {  	[dreg:$0x3] =	wrdreg s4  }
0xaa: {  	[dreg:$0x4] =	wrdreg $0xC0  }
0xab: {  	_ =	task [dreg:s6], $0x5FFFF  }
0xac: {  	[dreg:$0x1] =	wrdreg $0xFFFFFFFF  }
0xad: {  	[dreg:$0x0] =	wrdreg $0x60  }
0xae: {  	[dreg:$0x2] =	wrdreg s24  }
0xaf: {  	[dreg:$0x3] =	wrdreg $0x16000  }
0xb0: {  	[dreg:$0x4] =	wrdreg $0x9  }
0xb1: {  	_ =	task.clear_ibuf [dreg:s6], $0x5FFFF;
	_ =	strace $0x90000046  }
0xb2: {  	s29 =	simm.s32 $0x9;
	_ =	strace $0x80000048  }
0xb3: {  	_ =	swait.ge [sflag:s29], $0x1  }
0xb4: {  	[sflag:s29] =	ssyncadd.s32 $0xFFFFFFFF  }
0xb5: {  	_ =	strace $0x90000048  }
0xb6: {  	_ =	sfence  }
0xb7: {  	s30 =	sld [smem:$0x0];
	_ =	sdelay $0x2  }
0xb8: {  	s31 =	sshll.u32 s1, $0xD;
	s1 =	sshrl.u32 s1, $0x2  }
0xb9: {  	s3 =	sand.u32 $0x4000, s31;
	s1 =	sadd.s32 s1, s30  }
0xba: {  	s0 =	sor.u32 s3, s0;
	s1 =	sshll.u32 s1, $0x11  }
0xbb: {  	s0 =	sor.u32 s1, s0  }
0xbc: {  	s0 =	sadd.s32 $0x8F2B, s0  }
0xbd: {  	[sflag:s0] =	ssyncadd.remote.s32 $0x1  }
0xbe: {  	_ =	sfence.sel $0xFFFF  }
0xbf: {  	[dreg:$0x0] =	wrdreg $0xFFFFFFFF;
	(pc) =	sbr.abs _section_cstart, $3  }
0xc0: {  	[dreg:$0x1] =	wrdreg $0xFFFFFFFF  }
0xc1: {  	_ =	task.clear_ibuf [dreg:s6], $0x2FFFF;
	_ =	strace $0x9FFFFFFF  }
0xc2: {  	(tm) =	ssettm $0x7FFFFFFF  }
0xc3: {  	_ =	shalt  }
tec
execute0_lowered:
.L_overlay_start_1:
0x0: {  	(tag) =	ssettag $0x1  }
0x1: {  	s0 =	rddreg [dreg:$0x0]  }
0x2: {  	s1 =	srdreg.scid;
	s11 =	stileid.u32  }
0x3: {  	s2 =	rddreg [dreg:$0x1];
	s3 =	simm.s32 $0x0;
	s16 =	simm.s32 $0x7  }
0x4: {  	s17 =	simm.s32 $0x100;
	s18 =	simm.s32 $0x40;
	s19 =	simm.s32 $0x200  }
0x5: {  	s20 =	simm.s32 $0xC00;
	s28 =	simm.s32 $0x4;
	s29 =	simm.s32 $0x140  }
0x6: {  	s30 =	simm.s32 $0x180;
	s31 =	simm.s32 $0x5;
	s4 =	smul.u32 $0x1E8C0, s11  }
0x7: {  	s1 =	sand.u32 $0x1, s1;
	[smem:$0x7FF] =	sst s3;
	s9 =	smul.u32 $0x18800, s11  }
0x8: {  	s8 =	sadd.s32 $0x1B8800, s0;
	s14 =	sadd.s32 $0x800, s0;
	s25 =	smul.u32 $0x3100, s11  }
0x9: {  	s10 =	sshll.u32 s11, $0x6;
	s7 =	smul.u32 $0x1E8C00, s1;
	s1 =	ssub.s32 $0x2, s1  }
0xa: {  	_ =	strace $0x80000047;
	s6 =	sshrl.u32 s1, $0x1;
	s21 =	sshrl.u32 s9, $0x3  }
0xb: {  	s23 =	sor.u32 $0x200, s9;
	s12 =	sor.u32 $0x300, s9;
	s5 =	sadd.s32 s4, s7  }
0xc: {  	s1 =	ssub.s32 s1, s6;
	s4 =	sadd.s32 s4, s2;
	s6 =	sor.u32 $0x1C07, s10  }
0xd: {  	s7 =	sshrl.u32 s7, $0x3;
	s24 =	sshrl.u32 s23, $0x3;
	s26 =	sshrl.u32 s12, $0x3  }
0xe: {  	s23 =	simm.s32 $0x6;
	s5 =	sshrl.u32 s5, $0x3;
	s10 =	smax.u32 s1, $0x1  }
0xf: {  	s11 =	sadd.s32 s14, s24;
	s12 =	sadd.s32 s14, s26;
	s15 =	sshrl.u32 s4, $0x3  }
0x10: {  	s24 =	simm.s32 $0x3;
	s26 =	simm.s32 $0xC0;
	s1 =	simm.s32 $0x1C0  }
0x11: {  	s0 =	sadd.s32 s5, s0;
	s5 =	sadd.s32 s8, s5;
	s8 =	sadd.s32 s8, s7  }
0x12: {  	[dreg:$0x3] =	wrdreg s5;
	s5 =	sadd.s32 s14, s21;
	s0 =	sadd.s32 $0x31800, s0  }
0x13: {  	s14 =	sadd.s32 s25, s14;
	s21 =	simm.s32 $0x1;
	s25 =	simm.s32 $0x2  }
0x14: {  	s22 =	sadd.s32 $0x20, s5;
	[dreg:$0x5] =	wrdreg s0;
	s13 =	sadd.s32 $0x30E0, s5  }
0x15: {  	s0 =	simm.s32 $0x0;
	[dreg:$0x4] =	wrdreg s22;
	s22 =	simm.s32 $0x80  }
.LBB2_1:
0x16: {  	s4 =	rddreg [dreg:$0x3]  }
0x17: {  	[spmem:s15], [sflag:s6] =	dma.local [hbm:s4], $0x3D18  }
0x18: {  	_ =	swait.ge [sflag:s16], $0x3D18  }
0x19: {  	[sflag:s16] =	ssyncset.done $0x0  }
0x1a: {  	[sflag:s16] =	ssyncadd.s32 $0xFFFFC2E8  }
0x1b: {  	[bflag:$0x0] =	sbarrier.arrive $0xFFFF  }
0x1c: {  	[tilespmem:s3], [sflag:$0x7] =	stream.linear.gather [hbm4b:s5+s3], $0x100, $0x38;
	[tilespmem:$0x1FEC0] =	vst v63  }
0x1d: {  	_ =	swait.ge [sflag:s16], $0x100  }
0x1e: {  	[sflag:s16] =	ssyncset.done $0x0  }
0x1f: {  	s7 =	rddreg [dreg:$0x4];
	[sflag:s16] =	ssyncadd.s32 $0xFFFFFF00  }
0x20: {  	[tilespmem:s17], [sflag:$0x6] =	stream.linear.gather [hbm4b:s7+s3], $0x100, $0x38;
	[tilespmem:$0x1FEC0] =	vst v63  }
0x21: {  	_ = 	snop  }
0x22: {  	[tilespmem:s19], [sflag:$0x1] =	stream.indirect.gather [hbm4b:s8+s18], $0x28, s3, s18, $0xb8;
	[tilespmem:$0x1FEC0] =	vst v63  }
0x23: {  	_ = 	snop  }
0x24: {  	[tilespmem:s20], [sflag:$0x2] =	stream.indirect.gather [hbm4b:s8+s18], $0x28, s18, s18, $0xb8;
	[tilespmem:$0x1FEC0] =	vst v63  }
0x25: {  	_ =	swait.ge [sflag:s21], $0xA00  }
0x26: {  	[sflag:s21] =	ssyncset.done $0x0  }
0x27: {  	[sflag:s21] =	ssyncadd.s32 $0xFFFFF600  }
0x28: {  	[spmem:s2] =	stream.indirect.scatter.add.f32 [tilespmem:s19], [sflag:$0x3], $0x28, s22, s18, $0xb8;
	[tilespmem:$0x1FEC0] =	vst v63  }
0x29: {  	_ =	swait.ge [sflag:s23], $0x100  }
0x2a: {  	[sflag:s23] =	ssyncset.done $0x0  }
0x2b: {  	[sflag:s23] =	ssyncadd.s32 $0xFFFFFF00  }
0x2c: {  	_ =	swait.ge [sflag:s24], $0xA00  }
0x2d: {  	[sflag:s24] =	ssyncset.done $0x0  }
0x2e: {  	[sflag:s24] =	ssyncadd.s32 $0xFFFFF600  }
0x2f: {  	[tilespmem:s19], [sflag:$0x1] =	stream.indirect.gather [hbm4b:s8+s18], $0x28, s17, s18, $0xb8;
	[tilespmem:$0x1FEC0] =	vst v63  }
0x30: {  	_ =	swait.ge [sflag:s25], $0xA00  }
0x31: {  	[sflag:s25] =	ssyncset.done $0x0  }
0x32: {  	[sflag:s25] =	ssyncadd.s32 $0xFFFFF600  }
0x33: {  	[spmem:s2] =	stream.indirect.scatter.add.f32 [tilespmem:s20], [sflag:$0x4], $0x28, s26, s18, $0xb8;
	[tilespmem:$0x1FEC0] =	vst v63  }
0x34: {  	_ = 	snop  }
0x35: {  	[tilespmem:s3], [sflag:$0x5] =	stream.linear.gather [hbm4b:s11+s3], $0x100, $0x38;
	[tilespmem:$0x1FEC0] =	vst v63  }
0x36: {  	_ =	swait.ge [sflag:s28], $0xA00  }
0x37: {  	[sflag:s28] =	ssyncset.done $0x0  }
0x38: {  	[sflag:s28] =	ssyncadd.s32 $0xFFFFF600  }
0x39: {  	[tilespmem:s20], [sflag:$0x2] =	stream.indirect.gather [hbm4b:s8+s18], $0x28, s29, s18, $0xb8;
	[tilespmem:$0x1FEC0] =	vst v63  }
0x3a: {  	_ =	swait.ge [sflag:s21], $0xA00  }
0x3b: {  	[sflag:s21] =	ssyncset.done $0x0  }
0x3c: {  	[sflag:s21] =	ssyncadd.s32 $0xFFFFF600  }
0x3d: {  	[spmem:s2] =	stream.indirect.scatter.add.f32 [tilespmem:s19], [sflag:$0x3], $0x28, s30, s18, $0xb8;
	[tilespmem:$0x1FEC0] =	vst v63  }
0x3e: {  	_ =	swait.ge [sflag:s31], $0x100  }
0x3f: {  	[sflag:s31] =	ssyncset.done $0x0  }
0x40: {  	[sflag:s31] =	ssyncadd.s32 $0xFFFFFF00  }
0x41: {  	_ =	swait.ge [sflag:s24], $0xA00  }
0x42: {  	[sflag:s24] =	ssyncset.done $0x0  }
0x43: {  	[sflag:s24] =	ssyncadd.s32 $0xFFFFF600  }
0x44: {  	[tilespmem:s19], [sflag:$0x1] =	stream.indirect.gather [hbm4b:s8+s18], $0x28, s3, s18, $0xb8;
	[tilespmem:$0x1FEC0] =	vst v63  }
0x45: {  	_ =	swait.ge [sflag:s25], $0xA00  }
0x46: {  	[sflag:s25] =	ssyncset.done $0x0  }
0x47: {  	[sflag:s25] =	ssyncadd.s32 $0xFFFFF600  }
0x48: {  	[spmem:s2] =	stream.indirect.scatter.add.f32 [tilespmem:s20], [sflag:$0x4], $0x28, s1, s18, $0xb8;
	[tilespmem:$0x1FEC0] =	vst v63  }
0x49: {  	_ = 	snop  }
0x4a: {  	[tilespmem:s17], [sflag:$0x6] =	stream.linear.gather [hbm4b:s12+s3], $0x100, $0x38;
	[tilespmem:$0x1FEC0] =	vst v63  }
0x4b: {  	_ =	swait.ge [sflag:s28], $0xA00  }
0x4c: {  	[sflag:s28] =	ssyncset.done $0x0  }
0x4d: {  	[sflag:s28] =	ssyncadd.s32 $0xFFFFF600  }
0x4e: {  	[tilespmem:s20], [sflag:$0x2] =	stream.indirect.gather [hbm4b:s8+s18], $0x28, s18, s18, $0xb8;
	[tilespmem:$0x1FEC0] =	vst v63  }
0x4f: {  	_ =	swait.ge [sflag:s21], $0xA00  }
0x50: {  	[sflag:s21] =	ssyncset.done $0x0  }
0x51: {  	[sflag:s21] =	ssyncadd.s32 $0xFFFFF600  }
0x52: {  	[spmem:s2] =	stream.indirect.scatter.add.f32 [tilespmem:s19], [sflag:$0x3], $0x28, s22, s18, $0xb8;
	[tilespmem:$0x1FEC0] =	vst v63  }
0x53: {  	_ =	swait.ge [sflag:s23], $0x100  }
0x54: {  	[sflag:s23] =	ssyncset.done $0x0  }
0x55: {  	[sflag:s23] =	ssyncadd.s32 $0xFFFFFF00  }
0x56: {  	_ =	swait.ge [sflag:s24], $0xA00  }
0x57: {  	[sflag:s24] =	ssyncset.done $0x0  }
0x58: {  	[sflag:s24] =	ssyncadd.s32 $0xFFFFF600  }
0x59: {  	[tilespmem:s19], [sflag:$0x1] =	stream.indirect.gather [hbm4b:s8+s18], $0x28, s17, s18, $0xb8;
	[tilespmem:$0x1FEC0] =	vst v63  }
0x5a: {  	_ =	swait.ge [sflag:s25], $0xA00  }
0x5b: {  	[sflag:s25] =	ssyncset.done $0x0  }
0x5c: {  	s7 =	sadd.s32 $0xFFFFCF80, s14;
	[sflag:s25] =	ssyncadd.s32 $0xFFFFF600  }
0x5d: {  	[spmem:s2] =	stream.indirect.scatter.add.f32 [tilespmem:s20], [sflag:$0x4], $0x28, s26, s18, $0xb8;
	[tilespmem:$0x1FEC0] =	vst v63  }
0x5e: {  	s9 =	sadd.s32 $0x3100, s7  }
0x5f: {  	[tilespmem:s3], [sflag:$0x5] =	stream.linear.gather [hbm4b:s9+s3], $0x100, $0x38;
	[tilespmem:$0x1FEC0] =	vst v63  }
0x60: {  	_ =	swait.ge [sflag:s28], $0xA00  }
0x61: {  	[sflag:s28] =	ssyncset.done $0x0  }
0x62: {  	[sflag:s28] =	ssyncadd.s32 $0xFFFFF600  }
0x63: {  	[tilespmem:s20], [sflag:$0x2] =	stream.indirect.gather [hbm4b:s8+s18], $0x28, s29, s18, $0xb8;
	[tilespmem:$0x1FEC0] =	vst v63  }
0x64: {  	_ =	swait.ge [sflag:s21], $0xA00  }
0x65: {  	[sflag:s21] =	ssyncset.done $0x0  }
0x66: {  	[sflag:s21] =	ssyncadd.s32 $0xFFFFF600  }
0x67: {  	[spmem:s2] =	stream.indirect.scatter.add.f32 [tilespmem:s19], [sflag:$0x3], $0x28, s30, s18, $0xb8;
	[tilespmem:$0x1FEC0] =	vst v63  }
0x68: {  	_ =	swait.ge [sflag:s31], $0x100  }
0x69: {  	[sflag:s31] =	ssyncset.done $0x0  }
0x6a: {  	[sflag:s31] =	ssyncadd.s32 $0xFFFFFF00  }
0x6b: {  	_ =	swait.ge [sflag:s24], $0xA00  }
0x6c: {  	[sflag:s24] =	ssyncset.done $0x0  }
0x6d: {  	[sflag:s24] =	ssyncadd.s32 $0xFFFFF600  }
0x6e: {  	[tilespmem:s19], [sflag:$0x1] =	stream.indirect.gather [hbm4b:s8+s18], $0x28, s3, s18, $0xb8;
	[tilespmem:$0x1FEC0] =	vst v63  }
0x6f: {  	_ =	swait.ge [sflag:s25], $0xA00  }
0x70: {  	[sflag:s25] =	ssyncset.done $0x0  }
0x71: {  	s4 =	simm.s32 $0xFFFFCFC0;
	s7 =	sadd.s32 $0x3120, s7;
	[sflag:s25] =	ssyncadd.s32 $0xFFFFF600  }
0x72: {  	[spmem:s2] =	stream.indirect.scatter.add.f32 [tilespmem:s20], [sflag:$0x4], $0x28, s1, s18, $0xb8;
	[tilespmem:$0x1FEC0] =	vst v63  }
.LBB2_2:
0x73: {  	[tilespmem:s17], [sflag:$0x6] =	stream.linear.gather [hbm4b:s7+s3], $0x100, $0x38;
	[tilespmem:$0x1FEC0] =	vst v63  }
0x74: {  	s7 =	smov.u32 s4  }
0x75: {  	p0 =	sne.s32 s4, $0xFFFFFFC0;
	s4 =	sadd.s32 $0x40, s4;
	_ =	swait.ge [sflag:s28], $0xA00  }
0x76: {  	[sflag:s28] =	ssyncset.done $0x0  }
0x77: {  	[sflag:s28] =	ssyncadd.s32 $0xFFFFF600  }
0x78: {  	[tilespmem:s20], [sflag:$0x2] =	stream.indirect.gather [hbm4b:s8+s18], $0x28, s18, s18, $0xb8;
	[tilespmem:$0x1FEC0] =	vst v63  }
0x79: {  	_ =	swait.ge [sflag:s21], $0xA00  }
0x7a: {  	[sflag:s21] =	ssyncset.done $0x0  }
0x7b: {  	[sflag:s21] =	ssyncadd.s32 $0xFFFFF600  }
0x7c: {  	[spmem:s2] =	stream.indirect.scatter.add.f32 [tilespmem:s19], [sflag:$0x3], $0x28, s22, s18, $0xb8;
	[tilespmem:$0x1FEC0] =	vst v63  }
0x7d: {  	_ =	swait.ge [sflag:s23], $0x100  }
0x7e: {  	[sflag:s23] =	ssyncset.done $0x0  }
0x7f: {  	[sflag:s23] =	ssyncadd.s32 $0xFFFFFF00  }
0x80: {  	_ =	swait.ge [sflag:s24], $0xA00  }
0x81: {  	[sflag:s24] =	ssyncset.done $0x0  }
0x82: {  	[sflag:s24] =	ssyncadd.s32 $0xFFFFF600  }
0x83: {  	[tilespmem:s19], [sflag:$0x1] =	stream.indirect.gather [hbm4b:s8+s18], $0x28, s17, s18, $0xb8;
	[tilespmem:$0x1FEC0] =	vst v63  }
0x84: {  	_ =	swait.ge [sflag:s25], $0xA00  }
0x85: {  	[sflag:s25] =	ssyncset.done $0x0  }
0x86: {  	s7 =	sadd.s32 s7, s14;
	[sflag:s25] =	ssyncadd.s32 $0xFFFFF600  }
0x87: {  	[spmem:s2] =	stream.indirect.scatter.add.f32 [tilespmem:s20], [sflag:$0x4], $0x28, s26, s18, $0xb8;
	[tilespmem:$0x1FEC0] =	vst v63  }
0x88: {  	s9 =	sadd.s32 $0x3100, s7  }
0x89: {  	[tilespmem:s3], [sflag:$0x5] =	stream.linear.gather [hbm4b:s9+s3], $0x100, $0x38;
	[tilespmem:$0x1FEC0] =	vst v63  }
0x8a: {  	_ =	swait.ge [sflag:s28], $0xA00  }
0x8b: {  	[sflag:s28] =	ssyncset.done $0x0  }
0x8c: {  	[sflag:s28] =	ssyncadd.s32 $0xFFFFF600  }
0x8d: {  	[tilespmem:s20], [sflag:$0x2] =	stream.indirect.gather [hbm4b:s8+s18], $0x28, s29, s18, $0xb8;
	[tilespmem:$0x1FEC0] =	vst v63  }
0x8e: {  	_ =	swait.ge [sflag:s21], $0xA00  }
0x8f: {  	[sflag:s21] =	ssyncset.done $0x0  }
0x90: {  	[sflag:s21] =	ssyncadd.s32 $0xFFFFF600  }
0x91: {  	[spmem:s2] =	stream.indirect.scatter.add.f32 [tilespmem:s19], [sflag:$0x3], $0x28, s30, s18, $0xb8;
	[tilespmem:$0x1FEC0] =	vst v63  }
0x92: {  	_ =	swait.ge [sflag:s31], $0x100  }
0x93: {  	[sflag:s31] =	ssyncset.done $0x0  }
0x94: {  	[sflag:s31] =	ssyncadd.s32 $0xFFFFFF00  }
0x95: {  	_ =	swait.ge [sflag:s24], $0xA00  }
0x96: {  	[sflag:s24] =	ssyncset.done $0x0  }
0x97: {  	[sflag:s24] =	ssyncadd.s32 $0xFFFFF600  }
0x98: {  	[tilespmem:s19], [sflag:$0x1] =	stream.indirect.gather [hbm4b:s8+s18], $0x28, s3, s18, $0xb8;
	[tilespmem:$0x1FEC0] =	vst v63  }
.Ltmp0:
0x99: {  	_ =	swait.ge [sflag:s25], $0xA00;
	(pc) =	sbr.rel @p0 .LBB2_2-.Ltmp0, $4  }
0x9a: {  	[sflag:s25] =	ssyncset.done $0x0  }
0x9b: {  	[sflag:s25] =	ssyncadd.s32 $0xFFFFF600  }
0x9c: {  	[spmem:s2] =	stream.indirect.scatter.add.f32 [tilespmem:s20], [sflag:$0x4], $0x28, s1, s18, $0xb8;
	[tilespmem:$0x1FEC0] =	vst v63  }
0x9d: {  	s7 =	sadd.s32 $0x3120, s7  }
0x9e: {  	[tilespmem:s17], [sflag:$0x6] =	stream.linear.gather [hbm4b:s7+s3], $0x100, $0x38;
	[tilespmem:$0x1FEC0] =	vst v63  }
0x9f: {  	_ =	swait.ge [sflag:s28], $0xA00  }
0xa0: {  	[sflag:s28] =	ssyncset.done $0x0  }
0xa1: {  	[sflag:s28] =	ssyncadd.s32 $0xFFFFF600  }
0xa2: {  	[tilespmem:s20], [sflag:$0x2] =	stream.indirect.gather [hbm4b:s8+s18], $0x28, s18, s18, $0xb8;
	[tilespmem:$0x1FEC0] =	vst v63  }
0xa3: {  	_ =	swait.ge [sflag:s21], $0xA00  }
0xa4: {  	[sflag:s21] =	ssyncset.done $0x0  }
0xa5: {  	[sflag:s21] =	ssyncadd.s32 $0xFFFFF600  }
0xa6: {  	[spmem:s2] =	stream.indirect.scatter.add.f32 [tilespmem:s19], [sflag:$0x3], $0x28, s22, s18, $0xb8;
	[tilespmem:$0x1FEC0] =	vst v63  }
0xa7: {  	_ =	swait.ge [sflag:s23], $0x100  }
0xa8: {  	[sflag:s23] =	ssyncset.done $0x0  }
0xa9: {  	[sflag:s23] =	ssyncadd.s32 $0xFFFFFF00  }
0xaa: {  	_ =	swait.ge [sflag:s24], $0xA00  }
0xab: {  	[sflag:s24] =	ssyncset.done $0x0  }
0xac: {  	[sflag:s24] =	ssyncadd.s32 $0xFFFFF600  }
0xad: {  	[tilespmem:s19], [sflag:$0x1] =	stream.indirect.gather [hbm4b:s8+s18], $0x28, s17, s18, $0xb8;
	[tilespmem:$0x1FEC0] =	vst v63  }
0xae: {  	_ =	swait.ge [sflag:s25], $0xA00  }
0xaf: {  	[sflag:s25] =	ssyncset.done $0x0  }
0xb0: {  	[sflag:s25] =	ssyncadd.s32 $0xFFFFF600  }
0xb1: {  	[spmem:s2] =	stream.indirect.scatter.add.f32 [tilespmem:s20], [sflag:$0x4], $0x28, s26, s18, $0xb8;
	[tilespmem:$0x1FEC0] =	vst v63  }
0xb2: {  	_ = 	snop  }
0xb3: {  	[tilespmem:s3], [sflag:$0x5] =	stream.linear.gather [hbm4b:s13+s3], $0x100, $0x38;
	[tilespmem:$0x1FEC0] =	vst v63  }
0xb4: {  	_ =	swait.ge [sflag:s28], $0xA00  }
0xb5: {  	[sflag:s28] =	ssyncset.done $0x0  }
0xb6: {  	[sflag:s28] =	ssyncadd.s32 $0xFFFFF600  }
0xb7: {  	[tilespmem:s20], [sflag:$0x2] =	stream.indirect.gather [hbm4b:s8+s18], $0x28, s29, s18, $0xb8;
	[tilespmem:$0x1FEC0] =	vst v63  }
0xb8: {  	_ =	swait.ge [sflag:s21], $0xA00  }
0xb9: {  	[sflag:s21] =	ssyncset.done $0x0  }
0xba: {  	[sflag:s21] =	ssyncadd.s32 $0xFFFFF600  }
0xbb: {  	[spmem:s2] =	stream.indirect.scatter.add.f32 [tilespmem:s19], [sflag:$0x3], $0x28, s30, s18, $0xb8;
	[tilespmem:$0x1FEC0] =	vst v63  }
0xbc: {  	_ =	swait.ge [sflag:s31], $0x100  }
0xbd: {  	[sflag:s31] =	ssyncset.done $0x0  }
0xbe: {  	[sflag:s31] =	ssyncadd.s32 $0xFFFFFF00  }
0xbf: {  	_ =	swait.ge [sflag:s24], $0xA00  }
0xc0: {  	[sflag:s24] =	ssyncset.done $0x0  }
0xc1: {  	[sflag:s24] =	ssyncadd.s32 $0xFFFFF600  }
0xc2: {  	[tilespmem:s19], [sflag:$0x1] =	stream.indirect.gather [hbm4b:s8+s18], $0x28, s3, s18, $0xb8;
	[tilespmem:$0x1FEC0] =	vst v63  }
0xc3: {  	_ =	swait.ge [sflag:s25], $0xA00  }
0xc4: {  	[sflag:s25] =	ssyncset.done $0x0  }
0xc5: {  	[sflag:s25] =	ssyncadd.s32 $0xFFFFF600  }
0xc6: {  	[spmem:s2] =	stream.indirect.scatter.add.f32 [tilespmem:s20], [sflag:$0x4], $0x28, s1, s18, $0xb8;
	[tilespmem:$0x1FEC0] =	vst v63  }
0xc7: {  	_ = 	snop  }
0xc8: {  	[tilespmem:s17], [sflag:$0x6] =	stream.linear.gather [hbm4b:s13+s3], $0x100, $0x38;
	[tilespmem:$0x1FEC0] =	vst v63  }
0xc9: {  	_ =	swait.ge [sflag:s21], $0xA00  }
0xca: {  	[sflag:s21] =	ssyncset.done $0x0  }
0xcb: {  	[sflag:s21] =	ssyncadd.s32 $0xFFFFF600  }
0xcc: {  	_ =	swait.ge [sflag:s28], $0xA00  }
0xcd: {  	[sflag:s28] =	ssyncset.done $0x0  }
0xce: {  	[sflag:s28] =	ssyncadd.s32 $0xFFFFF600  }
0xcf: {  	_ =	swait.ge [sflag:s23], $0x100  }
0xd0: {  	[sflag:s23] =	ssyncset.done $0x0  }
0xd1: {  	s0 =	sadd.s32 $0x1, s0;
	[sflag:s23] =	ssyncadd.s32 $0xFFFFFF00  }
0xd2: {  	p0 =	sne.s32 s0, s10;
	[bflag:$0x0] =	sbarrier.arrive $0xFFFF  }
.Ltmp1:
0xd3: {  	s4 =	rddreg [dreg:$0x5];
	(pc) =	sbr.rel @p0 .LBB2_1-.Ltmp1, $4  }
0xd4: {  	[hbm:s4], [sflag:s6] =	dma.local [spmem:s15], $0x3D18  }
0xd5: {  	_ =	swait.ge [sflag:s16], $0x3D18  }
0xd6: {  	[sflag:s16] =	ssyncset.done $0x0  }
0xd7: {  	[sflag:s16] =	ssyncadd.s32 $0xFFFFC2E8  }
0xd8: {  	_ =	sfence.sel $0x180000  }
0xd9: {  	[bflag:$0x0] =	sbarrier.arrive $0xFFFF  }
0xda: {  	_ =	strace $0x90000047  }
0xdb: {  	s0 =	stileid.u32;
	[bflag:$0x2] =	sbarrier.arrive $0xFFFF  }
0xdc: {  	p0 =	sne.s32 s0, $0x0;
	s0 =	rddreg [dreg:$0x2]  }
0xdd: {  	s0 =	sadd.s32 @!p0 $0x100000, s0  }
0xde: {  	[sflag:s0] =	ssyncadd.tile.s32 @!p0 $0x1;
	_ =	shalt  }
.Lfunc_end2:
_tile_overlayer_lowered:
.L_overlay_start_2:
0xdf: {  	(tag) =	ssettag $0x2  }
0xe0: {  	s0 =	rddreg [dreg:$0x0];
	s2 =	stileid.u32  }
0xe1: {  	s1 =	rddreg [dreg:$0x1];
	p0 =	sne.s32 s2, $0x0  }
0xe2: {  	s3 =	rddreg [dreg:$0x2];
	[bflag:$0x3] =	sbarrier.arrive $0xFFFF;
	s2 =	simm.s32 @!p0 $0x1C07  }
0xe3: {  	[timem:s3], [sflag:s2] =	dma.local @!p0 [hbm:s0], s1  }
0xe4: {  	s0 =	simm.s32 @!p0 $0x7  }
0xe5: {  	_ =	swait.ge @!p0 [sflag:s0], s1  }
0xe6: {  	s1 =	ssub.s32 @!p0 $0x0, s1;
	[sflag:s0] =	ssyncset.done @!p0 $0x0  }
0xe7: {  	[sflag:s0] =	ssyncadd.s32 @!p0 s1  }
0xe8: {  	[bflag:$0x3] =	sbarrier.arrive $0xFFFF  }
0xe9: {  	_ =	shalt  }

</sc_bundles>
